<compile_context>
chip_gen: v7x
topology: tpu7x:2x2x1
jax: 0.10.2.dev20260603
libtpu: 0.0.44.dev20260713+nightly
codegen_flags: <defaults>
</compile_context>

<pallas_src>
import jax
import jax.numpy as jnp
from jax.experimental import pallas as pl
from jax.experimental.pallas import tpu as pltpu
from jax.experimental.pallas import tpu_sc as plsc

_RB = 128
_LANES = 16


def kernel(patch, pos_emb):
    B, P, D = patch.shape
    xt = jnp.transpose(patch, (1, 0, 2)).reshape(P * B, D)

    mesh = plsc.VectorSubcoreMesh(core_axis_name="c", subcore_axis_name="s")

    @pl.kernel(out_type=jax.ShapeDtypeStruct((P * B, D), patch.dtype),
               mesh=mesh, scratch_types=[])
    def sc_run(pos_hbm, x_hbm, o_hbm):
        def body(pos_vmem, x_vmem, o_vmem):
            for c in range(0, D // 8, _LANES):
                pv = pos_vmem.at[pl.ds(0, 1), pl.ds(c, _LANES)][...]

                @pl.loop(0, _RB)
                def _(r):
                    slc = (pl.ds(r, 1), pl.ds(c, _LANES))
                    o_vmem.at[*slc][...] = x_vmem.at[*slc][...] + pv

        pltpu.emit_pipeline(
            body,
            grid=(P * B // _RB, D // (D // 8)),
            in_specs=[
                pl.BlockSpec((1, D // 8), lambda i, j: (i * _RB // B, j)),
                pl.BlockSpec((_RB, D // 8), lambda i, j: (i, j)),
            ],
            out_specs=[pl.BlockSpec((_RB, D // 8), lambda i, j: (i, j))],
            core_axis_name=("c", "s"),
            dimension_semantics=(pltpu.PARALLEL, pltpu.PARALLEL),
        )(pos_hbm, x_hbm, o_hbm)

    out = sc_run(pos_emb, xt)
    return jnp.transpose(out.reshape(P, B, D), (1, 0, 2))

# --- scband reference (transcript-rebuilt; emitter-appended) ---
"""Pipeline reference for scband-patch-encoder-78563541778511 (READ-ONLY COPY).

The authoritative reference and input builder live on the scoring server;
editing this copy changes nothing except your own understanding.
"""

import jax, jax.numpy as jnp
import numpy as np

NUM_PATCHES = 5
PROJECTION_DIM = 1024
BATCH = 16384

def setup_inputs(seed: int = 0) -> dict:
    key = jax.random.key(seed)
    k1, k2 = jax.random.split(key)
    patch = jax.random.normal(k1, (BATCH, NUM_PATCHES, PROJECTION_DIM), dtype=jnp.float32)
    # nn.Embedding(num_patches, projection_dim) weight, default init ~ N(0,1)
    pos_emb = jax.random.normal(k2, (NUM_PATCHES, PROJECTION_DIM), dtype=jnp.float32)
    return {"patch": patch, "pos_emb": pos_emb}

def reference(patch, pos_emb):
    positions = jnp.arange(0, NUM_PATCHES)
    # embedding lookup (gather) then broadcast add; dropout rate 0.0 is identity
    encoded = patch + jnp.take(pos_emb, positions, axis=0)
    return encoded

if __name__ == "__main__":
    import jax
    _d = setup_inputs()
    print(jax.jit(kernel)(*tuple(_d.values())))

</pallas_src>

<mosaic_0001>
#map = affine_map<(d0, d1) -> (0, 0)>
module attributes {stable_mosaic.version = 14 : i64} {
  func.func @sc_run(%arg0: i32, %arg1: i32, %arg2: memref<5x1024xf32, #tpu.memory_space<hbm>>, %arg3: memref<81920x1024xf32, #tpu.memory_space<hbm>>, %arg4: memref<81920x1024xf32, #tpu.memory_space<hbm>>) attributes {dimension_semantics = [#tpu.dimension_semantics<core_parallel>, #tpu.dimension_semantics<subcore_parallel>], iteration_bounds = array<i64: 2, 16>, scalar_prefetch = 0 : i64, scratch_operands = 0 : i64, tpu.core_type = #tpu.core_type<sc_vector_subcore>, window_params = [{transform_indices = #map}, {transform_indices = #map}, {transform_indices = #map}]} {
    %mul3A = arith.constant 1 : i32
    %mul3A_0 = arith.muli %arg1, %mul3A : i32
    %add3A = arith.constant 0 : i32
    %add3A_1 = arith.addi %add3A, %mul3A_0 : i32
    %mul3A_2 = arith.constant 16 : i32
    %mul3A_3 = arith.muli %arg0, %mul3A_2 : i32
    %add3A_4 = arith.addi %add3A_1, %mul3A_3 : i32
    %mul3A_5 = arith.constant 20 : i32
    %mul3A_6 = arith.muli %add3A_4, %mul3A_5 : i32
    "tpu.region"() ({
      %run_scoped3A = memref.alloca() : memref<2x1x128xf32, #tpu.memory_space<vmem>>
      %run_scoped3A_7 = tpu.sem_alloc : memref<2x!tpu.dma_semaphore, #tpu.memory_space<semaphore_mem>>
      %run_scoped3A_8 = memref.alloca() : memref<2x128x128xf32, #tpu.memory_space<vmem>>
      %run_scoped3A_9 = tpu.sem_alloc : memref<2x!tpu.dma_semaphore, #tpu.memory_space<semaphore_mem>>
      %run_scoped3A_10 = memref.alloca() : memref<2x128x128xf32, #tpu.memory_space<vmem>>
      %run_scoped3A_11 = tpu.sem_alloc : memref<2x!tpu.dma_semaphore, #tpu.memory_space<semaphore_mem>>
      %add3A_12 = arith.constant 0 : i32
      %add3A_13 = arith.addi %add3A_12, %mul3A_6 : i32
      %select_n3A = arith.constant true
      %select_n3A_14 = arith.constant 0 : i32
      %select_n3A_15 = arith.constant -1 : i32
      %select_n3A_16 = arith.select %select_n3A, %select_n3A_15, %select_n3A_14 : i32
      %eq3A = arith.constant -1 : i32
      %eq3A_17 = arith.cmpi eq, %select_n3A_16, %eq3A : i32
      %select_n3A_18 = arith.constant 7 : i32
      %select_n3A_19 = arith.select %eq3A_17, %select_n3A_18, %select_n3A_16 : i32
      %select_n3A_20 = arith.constant 0 : i32
      %select_n3A_21 = arith.constant -1 : i32
      %select_n3A_22 = arith.select %eq3A_17, %select_n3A_21, %select_n3A_20 : i32
      %eq3A_23 = arith.constant -1 : i32
      %eq3A_24 = arith.cmpi eq, %select_n3A_22, %eq3A_23 : i32
      %select_n3A_25 = arith.constant 19 : i32
      %select_n3A_26 = arith.select %eq3A_24, %select_n3A_25, %select_n3A_22 : i32
      %add3A_27 = arith.addi %select_n3A_26, %mul3A_6 : i32
      %add3A_28 = arith.constant 0 : i32
      %add3A_29 = arith.addi %select_n3A_19, %add3A_28 : i32
      %select_n3A_30 = arith.constant true
      %select_n3A_31 = arith.constant 0 : i32
      %select_n3A_32 = arith.constant 1 : i32
      %select_n3A_33 = arith.select %select_n3A_30, %select_n3A_32, %select_n3A_31 : i32
      %eq3A_34 = arith.constant 8 : i32
      %eq3A_35 = arith.cmpi eq, %select_n3A_33, %eq3A_34 : i32
      %select_n3A_36 = arith.constant 0 : i32
      %select_n3A_37 = arith.select %eq3A_35, %select_n3A_36, %select_n3A_33 : i32
      %select_n3A_38 = arith.constant 0 : i32
      %select_n3A_39 = arith.constant 1 : i32
      %select_n3A_40 = arith.select %eq3A_35, %select_n3A_39, %select_n3A_38 : i32
      %eq3A_41 = arith.constant 20 : i32
      %eq3A_42 = arith.cmpi eq, %select_n3A_40, %eq3A_41 : i32
      %select_n3A_43 = arith.constant 0 : i32
      %select_n3A_44 = arith.select %eq3A_42, %select_n3A_43, %select_n3A_40 : i32
      %add3A_45 = arith.addi %select_n3A_44, %mul3A_6 : i32
      %add3A_46 = arith.constant 0 : i32
      %add3A_47 = arith.addi %select_n3A_37, %add3A_46 : i32
      %add3A_48 = arith.constant 1 : i32
      %add3A_49 = arith.addi %select_n3A_37, %add3A_48 : i32
      %select_n3A_50 = arith.constant true
      %select_n3A_51 = arith.select %select_n3A_50, %add3A_49, %select_n3A_37 : i32
      %eq3A_52 = arith.constant 8 : i32
      %eq3A_53 = arith.cmpi eq, %select_n3A_51, %eq3A_52 : i32
      %select_n3A_54 = arith.constant 0 : i32
      %select_n3A_55 = arith.select %eq3A_53, %select_n3A_54, %select_n3A_51 : i32
      %add3A_56 = arith.constant 1 : i32
      %add3A_57 = arith.addi %select_n3A_44, %add3A_56 : i32
      %select_n3A_58 = arith.select %eq3A_53, %add3A_57, %select_n3A_44 : i32
      %eq3A_59 = arith.constant 20 : i32
      %eq3A_60 = arith.cmpi eq, %select_n3A_58, %eq3A_59 : i32
      %select_n3A_61 = arith.constant 0 : i32
      %select_n3A_62 = arith.select %eq3A_60, %select_n3A_61, %select_n3A_58 : i32
      %add3A_63 = arith.addi %select_n3A_62, %mul3A_6 : i32
      %add3A_64 = arith.constant 0 : i32
      %add3A_65 = arith.addi %select_n3A_55, %add3A_64 : i32
      "tpu.trace_start"() <{level = 10 : i32, message = "ep_initialize_0"}> : () -> ()
      %rem3A = arith.constant 0 : i32
      %rem3A_66 = arith.constant 2 : i32
      %rem3A_67 = arith.remui %rem3A, %rem3A_66 : i32
      %mul3A_68 = arith.constant 128 : i32
      %mul3A_69 = arith.muli %add3A_13, %mul3A_68 : i32
      %jit3A = arith.constant 16384 : i32
      %div3A = arith.divsi %mul3A_69, %jit3A : i32
      %sign3A = arith.constant 0 : i32
      %sign3A_70 = arith.cmpi sgt, %mul3A_69, %sign3A : i32
      %sign3A_71 = arith.extui %sign3A_70 : i1 to i32
      %sign3A_72 = arith.constant 0 : i32
      %sign3A_73 = arith.cmpi slt, %mul3A_69, %sign3A_72 : i32
      %sign3A_74 = arith.extui %sign3A_73 : i1 to i32
      %sign3A_75 = arith.subi %sign3A_71, %sign3A_74 : i32
      %sign3A_76 = arith.constant 0 : i32
      %sign3A_77 = arith.cmpi sgt, %jit3A, %sign3A_76 : i32
      %sign3A_78 = arith.extui %sign3A_77 : i1 to i32
      %sign3A_79 = arith.constant 0 : i32
      %sign3A_80 = arith.cmpi slt, %jit3A, %sign3A_79 : i32
      %sign3A_81 = arith.extui %sign3A_80 : i1 to i32
      %sign3A_82 = arith.subi %sign3A_78, %sign3A_81 : i32
      %ne3A = arith.cmpi ne, %sign3A_75, %sign3A_82 : i32
      %rem3A_83 = arith.remsi %mul3A_69, %jit3A : i32
      %ne3A_84 = arith.constant 0 : i32
      %ne3A_85 = arith.cmpi ne, %rem3A_83, %ne3A_84 : i32
      %and3A = arith.andi %ne3A, %ne3A_85 : i1
      %sub3A = arith.constant 1 : i32
      %sub3A_86 = arith.subi %div3A, %sub3A : i32
      %select_n3A_87 = arith.select %and3A, %sub3A_86, %div3A : i32
      %mul3A_88 = arith.constant 1 : i32
      %mul3A_89 = arith.muli %mul3A_88, %select_n3A_87 : i32
      %dma_start3A = arith.constant 0 : i32
      %dma_start3A_90 = arith.constant 0 : i32
      %dma_start3A_91 = tpu.memref_slice %run_scoped3A[%rem3A_67, %dma_start3A, %dma_start3A_90] : memref<2x1x128xf32, #tpu.memory_space<vmem>> -> memref<1x1x128xf32, #tpu.memory_space<vmem>>
      %dma_start3A_92 = tpu.memref_squeeze %dma_start3A_91 : memref<1x1x128xf32, #tpu.memory_space<vmem>> -> memref<1x128xf32, #tpu.memory_space<vmem>>
      %dma_start3A_93 = arith.constant 0 : i32
      %dma_start3A_94 = tpu.memref_slice %arg2[%mul3A_89, %dma_start3A_93] : memref<5x1024xf32, #tpu.memory_space<hbm>> -> memref<1x128xf32, #tpu.memory_space<hbm>>
      %dma_start3A_95 = tpu.memref_slice %run_scoped3A_7[%rem3A_67] : memref<2x!tpu.dma_semaphore, #tpu.memory_space<semaphore_mem>> -> memref<1x!tpu.dma_semaphore, #tpu.memory_space<semaphore_mem>>
      %dma_start3A_96 = tpu.memref_squeeze %dma_start3A_95 : memref<1x!tpu.dma_semaphore, #tpu.memory_space<semaphore_mem>> -> memref<!tpu.dma_semaphore, #tpu.memory_space<semaphore_mem>>
      %dma_start3A_97 = arith.constant 0 : i32
      %dma_start3A_98 = arith.constant 0 : i32
      %dma_start3A_99 = tpu.memref_slice %run_scoped3A[%rem3A_67, %dma_start3A_97, %dma_start3A_98] : memref<2x1x128xf32, #tpu.memory_space<vmem>> -> memref<1x1x128xf32, #tpu.memory_space<vmem>>
      %dma_start3A_100 = tpu.memref_squeeze %dma_start3A_99 : memref<1x1x128xf32, #tpu.memory_space<vmem>> -> memref<1x128xf32, #tpu.memory_space<vmem>>
      %dma_start3A_101 = arith.constant 0 : i32
      %dma_start3A_102 = tpu.memref_slice %arg2[%mul3A_89, %dma_start3A_101] : memref<5x1024xf32, #tpu.memory_space<hbm>> -> memref<1x128xf32, #tpu.memory_space<hbm>>
      tpu.enqueue_dma source(%dma_start3A_102 : memref<1x128xf32, #tpu.memory_space<hbm>>) target(%dma_start3A_100 : memref<1x128xf32, #tpu.memory_space<vmem>>) target_semaphore(%dma_start3A_96 : memref<!tpu.dma_semaphore, #tpu.memory_space<semaphore_mem>>)
      %add3A_103 = arith.constant 0 : i32
      %add3A_104 = arith.constant 1 : i32
      %add3A_105 = arith.addi %add3A_103, %add3A_104 : i32
      %select_n3A_106 = arith.constant true
      %select_n3A_107 = arith.constant 0 : i32
      %select_n3A_108 = arith.select %select_n3A_106, %add3A_105, %select_n3A_107 : i32
      %rem3A_109 = arith.constant 0 : i32
      %rem3A_110 = arith.constant 2 : i32
      %rem3A_111 = arith.remui %rem3A_109, %rem3A_110 : i32
      %mul3A_112 = arith.constant 128 : i32
      %mul3A_113 = arith.muli %mul3A_112, %add3A_13 : i32
      %dma_start3A_114 = arith.constant 0 : i32
      %dma_start3A_115 = arith.constant 0 : i32
      %dma_start3A_116 = tpu.memref_slice %run_scoped3A_8[%rem3A_111, %dma_start3A_114, %dma_start3A_115] : memref<2x128x128xf32, #tpu.memory_space<vmem>> -> memref<1x128x128xf32, #tpu.memory_space<vmem>>
      %dma_start3A_117 = tpu.memref_squeeze %dma_start3A_116 : memref<1x128x128xf32, #tpu.memory_space<vmem>> -> memref<128x128xf32, #tpu.memory_space<vmem>>
      %dma_start3A_118 = arith.constant 0 : i32
      %dma_start3A_119 = tpu.memref_slice %arg3[%mul3A_113, %dma_start3A_118] : memref<81920x1024xf32, #tpu.memory_space<hbm>> -> memref<128x128xf32, #tpu.memory_space<hbm>>
      %dma_start3A_120 = tpu.memref_slice %run_scoped3A_9[%rem3A_111] : memref<2x!tpu.dma_semaphore, #tpu.memory_space<semaphore_mem>> -> memref<1x!tpu.dma_semaphore, #tpu.memory_space<semaphore_mem>>
      %dma_start3A_121 = tpu.memref_squeeze %dma_start3A_120 : memref<1x!tpu.dma_semaphore, #tpu.memory_space<semaphore_mem>> -> memref<!tpu.dma_semaphore, #tpu.memory_space<semaphore_mem>>
      %dma_start3A_122 = arith.constant 0 : i32
      %dma_start3A_123 = arith.constant 0 : i32
      %dma_start3A_124 = tpu.memref_slice %run_scoped3A_8[%rem3A_111, %dma_start3A_122, %dma_start3A_123] : memref<2x128x128xf32, #tpu.memory_space<vmem>> -> memref<1x128x128xf32, #tpu.memory_space<vmem>>
      %dma_start3A_125 = tpu.memref_squeeze %dma_start3A_124 : memref<1x128x128xf32, #tpu.memory_space<vmem>> -> memref<128x128xf32, #tpu.memory_space<vmem>>
      %dma_start3A_126 = arith.constant 0 : i32
      %dma_start3A_127 = tpu.memref_slice %arg3[%mul3A_113, %dma_start3A_126] : memref<81920x1024xf32, #tpu.memory_space<hbm>> -> memref<128x128xf32, #tpu.memory_space<hbm>>
      tpu.enqueue_dma source(%dma_start3A_127 : memref<128x128xf32, #tpu.memory_space<hbm>>) target(%dma_start3A_125 : memref<128x128xf32, #tpu.memory_space<vmem>>) target_semaphore(%dma_start3A_121 : memref<!tpu.dma_semaphore, #tpu.memory_space<semaphore_mem>>)
      %add3A_128 = arith.constant 0 : i32
      %add3A_129 = arith.constant 1 : i32
      %add3A_130 = arith.addi %add3A_128, %add3A_129 : i32
      %select_n3A_131 = arith.constant true
      %select_n3A_132 = arith.constant 0 : i32
      %select_n3A_133 = arith.select %select_n3A_131, %add3A_130, %select_n3A_132 : i32
      "tpu.trace_stop"() : () -> ()
      %scan3A = arith.constant 0 : i32
      %scan3A_134 = arith.constant 0 : i32
      %scan3A_135 = arith.constant 0 : i32
      %scan3A_136 = arith.constant 0 : i32
      %scan3A_137 = arith.constant 0 : i32
      %scan3A_138 = arith.constant 0 : i32
      %scan3A_139 = arith.constant 0 : i32
      %scan3A_140 = arith.constant 160 : i32
      %scan3A_141 = arith.addi %scan3A_139, %scan3A_140 : i32
      %scan3A_142 = arith.constant 1 : i32
      %scan3A_143:8 = scf.for %scan3A_234 = %scan3A_139 to %scan3A_141 step %scan3A_142 iter_args(%scan3A_235 = %select_n3A_108, %scan3A_236 = %scan3A, %scan3A_237 = %select_n3A_133, %scan3A_238 = %scan3A_134, %scan3A_239 = %scan3A_135, %scan3A_240 = %scan3A_136, %scan3A_241 = %scan3A_137, %scan3A_242 = %scan3A_138) -> (i32, i32, i32, i32, i32, i32, i32, i32)  : i32 {
        %eq3A_243 = arith.constant 0 : i32
        %eq3A_244 = arith.cmpi eq, %scan3A_234, %eq3A_243 : i32
        %eq3A_245 = arith.constant 159 : i32
        %eq3A_246 = arith.cmpi eq, %scan3A_234, %eq3A_245 : i32
        %add3A_247 = arith.addi %scan3A_241, %mul3A_6 : i32
        %add3A_248 = arith.constant 0 : i32
        %add3A_249 = arith.addi %scan3A_242, %add3A_248 : i32
        %sub3A_250 = arith.constant 1 : i32
        %sub3A_251 = arith.subi %scan3A_242, %sub3A_250 : i32
        %select_n3A_252 = arith.constant true
        %select_n3A_253 = arith.select %select_n3A_252, %sub3A_251, %scan3A_242 : i32
        %eq3A_254 = arith.constant -1 : i32
        %eq3A_255 = arith.cmpi eq, %select_n3A_253, %eq3A_254 : i32
        %select_n3A_256 = arith.constant 7 : i32
        %select_n3A_257 = arith.select %eq3A_255, %select_n3A_256, %select_n3A_253 : i32
        %sub3A_258 = arith.constant 1 : i32
        %sub3A_259 = arith.subi %scan3A_241, %sub3A_258 : i32
        %select_n3A_260 = arith.select %eq3A_255, %sub3A_259, %scan3A_241 : i32
        %eq3A_261 = arith.constant -1 : i32
        %eq3A_262 = arith.cmpi eq, %select_n3A_260, %eq3A_261 : i32
        %select_n3A_263 = arith.constant 19 : i32
        %select_n3A_264 = arith.select %eq3A_262, %select_n3A_263, %select_n3A_260 : i32
        %add3A_265 = arith.addi %select_n3A_264, %mul3A_6 : i32
        %add3A_266 = arith.constant 0 : i32
        %add3A_267 = arith.addi %select_n3A_257, %add3A_266 : i32
        %add3A_268 = arith.constant 1 : i32
        %add3A_269 = arith.addi %scan3A_242, %add3A_268 : i32
        %select_n3A_270 = arith.constant true
        %select_n3A_271 = arith.select %select_n3A_270, %add3A_269, %scan3A_242 : i32
        %eq3A_272 = arith.constant 8 : i32
        %eq3A_273 = arith.cmpi eq, %select_n3A_271, %eq3A_272 : i32
        %select_n3A_274 = arith.constant 0 : i32
        %select_n3A_275 = arith.select %eq3A_273, %select_n3A_274, %select_n3A_271 : i32
        %add3A_276 = arith.constant 1 : i32
        %add3A_277 = arith.addi %scan3A_241, %add3A_276 : i32
        %select_n3A_278 = arith.select %eq3A_273, %add3A_277, %scan3A_241 : i32
        %eq3A_279 = arith.constant 20 : i32
        %eq3A_280 = arith.cmpi eq, %select_n3A_278, %eq3A_279 : i32
        %select_n3A_281 = arith.constant 0 : i32
        %select_n3A_282 = arith.select %eq3A_280, %select_n3A_281, %select_n3A_278 : i32
        %add3A_283 = arith.addi %select_n3A_282, %mul3A_6 : i32
        %add3A_284 = arith.constant 0 : i32
        %add3A_285 = arith.addi %select_n3A_275, %add3A_284 : i32
        %add3A_286 = arith.constant 1 : i32
        %add3A_287 = arith.addi %select_n3A_275, %add3A_286 : i32
        %select_n3A_288 = arith.constant true
        %select_n3A_289 = arith.select %select_n3A_288, %add3A_287, %select_n3A_275 : i32
        %eq3A_290 = arith.constant 8 : i32
        %eq3A_291 = arith.cmpi eq, %select_n3A_289, %eq3A_290 : i32
        %select_n3A_292 = arith.constant 0 : i32
        %select_n3A_293 = arith.select %eq3A_291, %select_n3A_292, %select_n3A_289 : i32
        %add3A_294 = arith.constant 1 : i32
        %add3A_295 = arith.addi %select_n3A_282, %add3A_294 : i32
        %select_n3A_296 = arith.select %eq3A_291, %add3A_295, %select_n3A_282 : i32
        %eq3A_297 = arith.constant 20 : i32
        %eq3A_298 = arith.cmpi eq, %select_n3A_296, %eq3A_297 : i32
        %select_n3A_299 = arith.constant 0 : i32
        %select_n3A_300 = arith.select %eq3A_298, %select_n3A_299, %select_n3A_296 : i32
        %add3A_301 = arith.addi %select_n3A_300, %mul3A_6 : i32
        %add3A_302 = arith.constant 0 : i32
        %add3A_303 = arith.addi %select_n3A_293, %add3A_302 : i32
        %mul3A_304 = arith.constant 128 : i32
        %mul3A_305 = arith.muli %add3A_247, %mul3A_304 : i32
        %jit3A_306 = arith.constant 16384 : i32
        %div3A_307 = arith.divsi %mul3A_305, %jit3A_306 : i32
        %sign3A_308 = arith.constant 0 : i32
        %sign3A_309 = arith.cmpi sgt, %mul3A_305, %sign3A_308 : i32
        %sign3A_310 = arith.extui %sign3A_309 : i1 to i32
        %sign3A_311 = arith.constant 0 : i32
        %sign3A_312 = arith.cmpi slt, %mul3A_305, %sign3A_311 : i32
        %sign3A_313 = arith.extui %sign3A_312 : i1 to i32
        %sign3A_314 = arith.subi %sign3A_310, %sign3A_313 : i32
        %sign3A_315 = arith.constant 0 : i32
        %sign3A_316 = arith.cmpi sgt, %jit3A_306, %sign3A_315 : i32
        %sign3A_317 = arith.extui %sign3A_316 : i1 to i32
        %sign3A_318 = arith.constant 0 : i32
        %sign3A_319 = arith.cmpi slt, %jit3A_306, %sign3A_318 : i32
        %sign3A_320 = arith.extui %sign3A_319 : i1 to i32
        %sign3A_321 = arith.subi %sign3A_317, %sign3A_320 : i32
        %ne3A_322 = arith.cmpi ne, %sign3A_314, %sign3A_321 : i32
        %rem3A_323 = arith.remsi %mul3A_305, %jit3A_306 : i32
        %ne3A_324 = arith.constant 0 : i32
        %ne3A_325 = arith.cmpi ne, %rem3A_323, %ne3A_324 : i32
        %and3A_326 = arith.andi %ne3A_322, %ne3A_325 : i1
        %sub3A_327 = arith.constant 1 : i32
        %sub3A_328 = arith.subi %div3A_307, %sub3A_327 : i32
        %select_n3A_329 = arith.select %and3A_326, %sub3A_328, %div3A_307 : i32
        %mul3A_330 = arith.constant 128 : i32
        %mul3A_331 = arith.muli %add3A_283, %mul3A_330 : i32
        %jit3A_332 = arith.constant 16384 : i32
        %div3A_333 = arith.divsi %mul3A_331, %jit3A_332 : i32
        %sign3A_334 = arith.constant 0 : i32
        %sign3A_335 = arith.cmpi sgt, %mul3A_331, %sign3A_334 : i32
        %sign3A_336 = arith.extui %sign3A_335 : i1 to i32
        %sign3A_337 = arith.constant 0 : i32
        %sign3A_338 = arith.cmpi slt, %mul3A_331, %sign3A_337 : i32
        %sign3A_339 = arith.extui %sign3A_338 : i1 to i32
        %sign3A_340 = arith.subi %sign3A_336, %sign3A_339 : i32
        %sign3A_341 = arith.constant 0 : i32
        %sign3A_342 = arith.cmpi sgt, %jit3A_332, %sign3A_341 : i32
        %sign3A_343 = arith.extui %sign3A_342 : i1 to i32
        %sign3A_344 = arith.constant 0 : i32
        %sign3A_345 = arith.cmpi slt, %jit3A_332, %sign3A_344 : i32
        %sign3A_346 = arith.extui %sign3A_345 : i1 to i32
        %sign3A_347 = arith.subi %sign3A_343, %sign3A_346 : i32
        %ne3A_348 = arith.cmpi ne, %sign3A_340, %sign3A_347 : i32
        %rem3A_349 = arith.remsi %mul3A_331, %jit3A_332 : i32
        %ne3A_350 = arith.constant 0 : i32
        %ne3A_351 = arith.cmpi ne, %rem3A_349, %ne3A_350 : i32
        %and3A_352 = arith.andi %ne3A_348, %ne3A_351 : i1
        %sub3A_353 = arith.constant 1 : i32
        %sub3A_354 = arith.subi %div3A_333, %sub3A_353 : i32
        %select_n3A_355 = arith.select %and3A_352, %sub3A_354, %div3A_333 : i32
        %ne3A_356 = arith.cmpi ne, %select_n3A_329, %select_n3A_355 : i32
        %ne3A_357 = arith.cmpi ne, %add3A_249, %add3A_285 : i32
        %or3A = arith.constant false
        %or3A_358 = arith.ori %or3A, %ne3A_356 : i1
        %or3A_359 = arith.ori %or3A_358, %ne3A_357 : i1
        %ge3A = arith.constant 159 : i32
        %ge3A_360 = arith.cmpi sge, %scan3A_234, %ge3A : i32
        %not3A = arith.constant true
        %not3A_361 = arith.xori %ge3A_360, %not3A : i1
        %and3A_362 = arith.andi %or3A_359, %not3A_361 : i1
        %convert_element_type3A = arith.extui %and3A_362 : i1 to i32
        %cond3A = arith.constant 0 : i32
        %cond3A_363 = arith.cmpi ne, %convert_element_type3A, %cond3A : i32
        scf.if %cond3A_363 {
          "tpu.trace_start"() <{level = 10 : i32, message = "ep_copy_in"}> : () -> ()
          %rem3A_852 = arith.constant 2 : i32
          %rem3A_853 = arith.remui %scan3A_235, %rem3A_852 : i32
          %mul3A_854 = arith.constant 128 : i32
          %mul3A_855 = arith.muli %add3A_283, %mul3A_854 : i32
          %jit3A_856 = arith.constant 16384 : i32
          %div3A_857 = arith.divsi %mul3A_855, %jit3A_856 : i32
          %sign3A_858 = arith.constant 0 : i32
          %sign3A_859 = arith.cmpi sgt, %mul3A_855, %sign3A_858 : i32
          %sign3A_860 = arith.extui %sign3A_859 : i1 to i32
          %sign3A_861 = arith.constant 0 : i32
          %sign3A_862 = arith.cmpi slt, %mul3A_855, %sign3A_861 : i32
          %sign3A_863 = arith.extui %sign3A_862 : i1 to i32
          %sign3A_864 = arith.subi %sign3A_860, %sign3A_863 : i32
          %sign3A_865 = arith.constant 0 : i32
          %sign3A_866 = arith.cmpi sgt, %jit3A_856, %sign3A_865 : i32
          %sign3A_867 = arith.extui %sign3A_866 : i1 to i32
          %sign3A_868 = arith.constant 0 : i32
          %sign3A_869 = arith.cmpi slt, %jit3A_856, %sign3A_868 : i32
          %sign3A_870 = arith.extui %sign3A_869 : i1 to i32
          %sign3A_871 = arith.subi %sign3A_867, %sign3A_870 : i32
          %ne3A_872 = arith.cmpi ne, %sign3A_864, %sign3A_871 : i32
          %rem3A_873 = arith.remsi %mul3A_855, %jit3A_856 : i32
          %ne3A_874 = arith.constant 0 : i32
          %ne3A_875 = arith.cmpi ne, %rem3A_873, %ne3A_874 : i32
          %and3A_876 = arith.andi %ne3A_872, %ne3A_875 : i1
          %sub3A_877 = arith.constant 1 : i32
          %sub3A_878 = arith.subi %div3A_857, %sub3A_877 : i32
          %select_n3A_879 = arith.select %and3A_876, %sub3A_878, %div3A_857 : i32
          %mul3A_880 = arith.constant 1 : i32
          %mul3A_881 = arith.muli %mul3A_880, %select_n3A_879 : i32
          %mul3A_882 = arith.constant 128 : i32
          %mul3A_883 = arith.muli %mul3A_882, %add3A_285 : i32
          %dma_start3A_884 = arith.constant 0 : i32
          %dma_start3A_885 = arith.constant 0 : i32
          %dma_start3A_886 = tpu.memref_slice %run_scoped3A[%rem3A_853, %dma_start3A_884, %dma_start3A_885] : memref<2x1x128xf32, #tpu.memory_space<vmem>> -> memref<1x1x128xf32, #tpu.memory_space<vmem>>
          %dma_start3A_887 = tpu.memref_squeeze %dma_start3A_886 : memref<1x1x128xf32, #tpu.memory_space<vmem>> -> memref<1x128xf32, #tpu.memory_space<vmem>>
          %dma_start3A_888 = tpu.memref_slice %arg2[%mul3A_881, %mul3A_883] : memref<5x1024xf32, #tpu.memory_space<hbm>> -> memref<1x128xf32, #tpu.memory_space<hbm>>
          %dma_start3A_889 = tpu.memref_slice %run_scoped3A_7[%rem3A_853] : memref<2x!tpu.dma_semaphore, #tpu.memory_space<semaphore_mem>> -> memref<1x!tpu.dma_semaphore, #tpu.memory_space<semaphore_mem>>
          %dma_start3A_890 = tpu.memref_squeeze %dma_start3A_889 : memref<1x!tpu.dma_semaphore, #tpu.memory_space<semaphore_mem>> -> memref<!tpu.dma_semaphore, #tpu.memory_space<semaphore_mem>>
          %dma_start3A_891 = arith.constant 0 : i32
          %dma_start3A_892 = arith.constant 0 : i32
          %dma_start3A_893 = tpu.memref_slice %run_scoped3A[%rem3A_853, %dma_start3A_891, %dma_start3A_892] : memref<2x1x128xf32, #tpu.memory_space<vmem>> -> memref<1x1x128xf32, #tpu.memory_space<vmem>>
          %dma_start3A_894 = tpu.memref_squeeze %dma_start3A_893 : memref<1x1x128xf32, #tpu.memory_space<vmem>> -> memref<1x128xf32, #tpu.memory_space<vmem>>
          %dma_start3A_895 = tpu.memref_slice %arg2[%mul3A_881, %mul3A_883] : memref<5x1024xf32, #tpu.memory_space<hbm>> -> memref<1x128xf32, #tpu.memory_space<hbm>>
          tpu.enqueue_dma source(%dma_start3A_895 : memref<1x128xf32, #tpu.memory_space<hbm>>) target(%dma_start3A_894 : memref<1x128xf32, #tpu.memory_space<vmem>>) target_semaphore(%dma_start3A_890 : memref<!tpu.dma_semaphore, #tpu.memory_space<semaphore_mem>>)
          "tpu.trace_stop"() : () -> ()
        } else {
        }
        %and3A_364 = arith.constant true
        %and3A_365 = arith.andi %and3A_362, %and3A_364 : i1
        %add3A_366 = arith.constant 1 : i32
        %add3A_367 = arith.addi %scan3A_235, %add3A_366 : i32
        %select_n3A_368 = arith.select %and3A_365, %add3A_367, %scan3A_235 : i32
        %ne3A_369 = arith.cmpi ne, %add3A_247, %add3A_283 : i32
        %ne3A_370 = arith.cmpi ne, %add3A_249, %add3A_285 : i32
        %or3A_371 = arith.constant false
        %or3A_372 = arith.ori %or3A_371, %ne3A_369 : i1
        %or3A_373 = arith.ori %or3A_372, %ne3A_370 : i1
        %ge3A_374 = arith.constant 159 : i32
        %ge3A_375 = arith.cmpi sge, %scan3A_234, %ge3A_374 : i32
        %not3A_376 = arith.constant true
        %not3A_377 = arith.xori %ge3A_375, %not3A_376 : i1
        %and3A_378 = arith.andi %or3A_373, %not3A_377 : i1
        %convert_element_type3A_379 = arith.extui %and3A_378 : i1 to i32
        %cond3A_380 = arith.constant 0 : i32
        %cond3A_381 = arith.cmpi ne, %convert_element_type3A_379, %cond3A_380 : i32
        scf.if %cond3A_381 {
          "tpu.trace_start"() <{level = 10 : i32, message = "ep_copy_in"}> : () -> ()
          %rem3A_852 = arith.constant 2 : i32
          %rem3A_853 = arith.remui %scan3A_237, %rem3A_852 : i32
          %mul3A_854 = arith.constant 128 : i32
          %mul3A_855 = arith.muli %mul3A_854, %add3A_283 : i32
          %mul3A_856 = arith.constant 128 : i32
          %mul3A_857 = arith.muli %mul3A_856, %add3A_285 : i32
          %dma_start3A_858 = arith.constant 0 : i32
          %dma_start3A_859 = arith.constant 0 : i32
          %dma_start3A_860 = tpu.memref_slice %run_scoped3A_8[%rem3A_853, %dma_start3A_858, %dma_start3A_859] : memref<2x128x128xf32, #tpu.memory_space<vmem>> -> memref<1x128x128xf32, #tpu.memory_space<vmem>>
          %dma_start3A_861 = tpu.memref_squeeze %dma_start3A_860 : memref<1x128x128xf32, #tpu.memory_space<vmem>> -> memref<128x128xf32, #tpu.memory_space<vmem>>
          %dma_start3A_862 = tpu.memref_slice %arg3[%mul3A_855, %mul3A_857] : memref<81920x1024xf32, #tpu.memory_space<hbm>> -> memref<128x128xf32, #tpu.memory_space<hbm>>
          %dma_start3A_863 = tpu.memref_slice %run_scoped3A_9[%rem3A_853] : memref<2x!tpu.dma_semaphore, #tpu.memory_space<semaphore_mem>> -> memref<1x!tpu.dma_semaphore, #tpu.memory_space<semaphore_mem>>
          %dma_start3A_864 = tpu.memref_squeeze %dma_start3A_863 : memref<1x!tpu.dma_semaphore, #tpu.memory_space<semaphore_mem>> -> memref<!tpu.dma_semaphore, #tpu.memory_space<semaphore_mem>>
          %dma_start3A_865 = arith.constant 0 : i32
          %dma_start3A_866 = arith.constant 0 : i32
          %dma_start3A_867 = tpu.memref_slice %run_scoped3A_8[%rem3A_853, %dma_start3A_865, %dma_start3A_866] : memref<2x128x128xf32, #tpu.memory_space<vmem>> -> memref<1x128x128xf32, #tpu.memory_space<vmem>>
          %dma_start3A_868 = tpu.memref_squeeze %dma_start3A_867 : memref<1x128x128xf32, #tpu.memory_space<vmem>> -> memref<128x128xf32, #tpu.memory_space<vmem>>
          %dma_start3A_869 = tpu.memref_slice %arg3[%mul3A_855, %mul3A_857] : memref<81920x1024xf32, #tpu.memory_space<hbm>> -> memref<128x128xf32, #tpu.memory_space<hbm>>
          tpu.enqueue_dma source(%dma_start3A_869 : memref<128x128xf32, #tpu.memory_space<hbm>>) target(%dma_start3A_868 : memref<128x128xf32, #tpu.memory_space<vmem>>) target_semaphore(%dma_start3A_864 : memref<!tpu.dma_semaphore, #tpu.memory_space<semaphore_mem>>)
          "tpu.trace_stop"() : () -> ()
        } else {
        }
        %and3A_382 = arith.constant true
        %and3A_383 = arith.andi %and3A_378, %and3A_382 : i1
        %add3A_384 = arith.constant 1 : i32
        %add3A_385 = arith.addi %scan3A_237, %add3A_384 : i32
        %select_n3A_386 = arith.select %and3A_383, %add3A_385, %scan3A_237 : i32
        %ne3A_387 = arith.cmpi ne, %add3A_247, %add3A_283 : i32
        %ne3A_388 = arith.cmpi ne, %add3A_249, %add3A_285 : i32
        %or3A_389 = arith.constant false
        %or3A_390 = arith.ori %or3A_389, %ne3A_387 : i1
        %or3A_391 = arith.ori %or3A_390, %ne3A_388 : i1
        %ge3A_392 = arith.constant 159 : i32
        %ge3A_393 = arith.cmpi sge, %scan3A_234, %ge3A_392 : i32
        %not3A_394 = arith.constant true
        %not3A_395 = arith.xori %ge3A_393, %not3A_394 : i1
        %and3A_396 = arith.andi %or3A_391, %not3A_395 : i1
        %mul3A_397 = arith.constant 128 : i32
        %mul3A_398 = arith.muli %add3A_247, %mul3A_397 : i32
        %jit3A_399 = arith.constant 16384 : i32
        %div3A_400 = arith.divsi %mul3A_398, %jit3A_399 : i32
        %sign3A_401 = arith.constant 0 : i32
        %sign3A_402 = arith.cmpi sgt, %mul3A_398, %sign3A_401 : i32
        %sign3A_403 = arith.extui %sign3A_402 : i1 to i32
        %sign3A_404 = arith.constant 0 : i32
        %sign3A_405 = arith.cmpi slt, %mul3A_398, %sign3A_404 : i32
        %sign3A_406 = arith.extui %sign3A_405 : i1 to i32
        %sign3A_407 = arith.subi %sign3A_403, %sign3A_406 : i32
        %sign3A_408 = arith.constant 0 : i32
        %sign3A_409 = arith.cmpi sgt, %jit3A_399, %sign3A_408 : i32
        %sign3A_410 = arith.extui %sign3A_409 : i1 to i32
        %sign3A_411 = arith.constant 0 : i32
        %sign3A_412 = arith.cmpi slt, %jit3A_399, %sign3A_411 : i32
        %sign3A_413 = arith.extui %sign3A_412 : i1 to i32
        %sign3A_414 = arith.subi %sign3A_410, %sign3A_413 : i32
        %ne3A_415 = arith.cmpi ne, %sign3A_407, %sign3A_414 : i32
        %rem3A_416 = arith.remsi %mul3A_398, %jit3A_399 : i32
        %ne3A_417 = arith.constant 0 : i32
        %ne3A_418 = arith.cmpi ne, %rem3A_416, %ne3A_417 : i32
        %and3A_419 = arith.andi %ne3A_415, %ne3A_418 : i1
        %sub3A_420 = arith.constant 1 : i32
        %sub3A_421 = arith.subi %div3A_400, %sub3A_420 : i32
        %select_n3A_422 = arith.select %and3A_419, %sub3A_421, %div3A_400 : i32
        %mul3A_423 = arith.constant 128 : i32
        %mul3A_424 = arith.muli %add3A_265, %mul3A_423 : i32
        %jit3A_425 = arith.constant 16384 : i32
        %div3A_426 = arith.divsi %mul3A_424, %jit3A_425 : i32
        %sign3A_427 = arith.constant 0 : i32
        %sign3A_428 = arith.cmpi sgt, %mul3A_424, %sign3A_427 : i32
        %sign3A_429 = arith.extui %sign3A_428 : i1 to i32
        %sign3A_430 = arith.constant 0 : i32
        %sign3A_431 = arith.cmpi slt, %mul3A_424, %sign3A_430 : i32
        %sign3A_432 = arith.extui %sign3A_431 : i1 to i32
        %sign3A_433 = arith.subi %sign3A_429, %sign3A_432 : i32
        %sign3A_434 = arith.constant 0 : i32
        %sign3A_435 = arith.cmpi sgt, %jit3A_425, %sign3A_434 : i32
        %sign3A_436 = arith.extui %sign3A_435 : i1 to i32
        %sign3A_437 = arith.constant 0 : i32
        %sign3A_438 = arith.cmpi slt, %jit3A_425, %sign3A_437 : i32
        %sign3A_439 = arith.extui %sign3A_438 : i1 to i32
        %sign3A_440 = arith.subi %sign3A_436, %sign3A_439 : i32
        %ne3A_441 = arith.cmpi ne, %sign3A_433, %sign3A_440 : i32
        %rem3A_442 = arith.remsi %mul3A_424, %jit3A_425 : i32
        %ne3A_443 = arith.constant 0 : i32
        %ne3A_444 = arith.cmpi ne, %rem3A_442, %ne3A_443 : i32
        %and3A_445 = arith.andi %ne3A_441, %ne3A_444 : i1
        %sub3A_446 = arith.constant 1 : i32
        %sub3A_447 = arith.subi %div3A_426, %sub3A_446 : i32
        %select_n3A_448 = arith.select %and3A_445, %sub3A_447, %div3A_426 : i32
        %ne3A_449 = arith.cmpi ne, %select_n3A_422, %select_n3A_448 : i32
        %ne3A_450 = arith.cmpi ne, %add3A_249, %add3A_267 : i32
        %or3A_451 = arith.constant false
        %or3A_452 = arith.ori %or3A_451, %ne3A_449 : i1
        %or3A_453 = arith.ori %or3A_452, %ne3A_450 : i1
        %or3A_454 = arith.ori %or3A_453, %eq3A_244 : i1
        %convert_element_type3A_455 = arith.extui %or3A_454 : i1 to i32
        %cond3A_456 = arith.constant 0 : i32
        %cond3A_457 = arith.cmpi ne, %convert_element_type3A_455, %cond3A_456 : i32
        scf.if %cond3A_457 {
          "tpu.trace_start"() <{level = 10 : i32, message = "ep_wait_in"}> : () -> ()
          %mul3A_852 = arith.constant 128 : i32
          %mul3A_853 = arith.muli %add3A_247, %mul3A_852 : i32
          %jit3A_854 = arith.constant 16384 : i32
          %div3A_855 = arith.divsi %mul3A_853, %jit3A_854 : i32
          %sign3A_856 = arith.constant 0 : i32
          %sign3A_857 = arith.cmpi sgt, %mul3A_853, %sign3A_856 : i32
          %sign3A_858 = arith.extui %sign3A_857 : i1 to i32
          %sign3A_859 = arith.constant 0 : i32
          %sign3A_860 = arith.cmpi slt, %mul3A_853, %sign3A_859 : i32
          %sign3A_861 = arith.extui %sign3A_860 : i1 to i32
          %sign3A_862 = arith.subi %sign3A_858, %sign3A_861 : i32
          %sign3A_863 = arith.constant 0 : i32
          %sign3A_864 = arith.cmpi sgt, %jit3A_854, %sign3A_863 : i32
          %sign3A_865 = arith.extui %sign3A_864 : i1 to i32
          %sign3A_866 = arith.constant 0 : i32
          %sign3A_867 = arith.cmpi slt, %jit3A_854, %sign3A_866 : i32
          %sign3A_868 = arith.extui %sign3A_867 : i1 to i32
          %sign3A_869 = arith.subi %sign3A_865, %sign3A_868 : i32
          %ne3A_870 = arith.cmpi ne, %sign3A_862, %sign3A_869 : i32
          %rem3A_871 = arith.remsi %mul3A_853, %jit3A_854 : i32
          %ne3A_872 = arith.constant 0 : i32
          %ne3A_873 = arith.cmpi ne, %rem3A_871, %ne3A_872 : i32
          %and3A_874 = arith.andi %ne3A_870, %ne3A_873 : i1
          %sub3A_875 = arith.constant 1 : i32
          %sub3A_876 = arith.subi %div3A_855, %sub3A_875 : i32
          %select_n3A_877 = arith.select %and3A_874, %sub3A_876, %div3A_855 : i32
          %mul3A_878 = arith.constant 1 : i32
          %mul3A_879 = arith.muli %mul3A_878, %select_n3A_877 : i32
          %mul3A_880 = arith.constant 128 : i32
          %mul3A_881 = arith.muli %mul3A_880, %add3A_249 : i32
          %rem3A_882 = arith.constant 2 : i32
          %rem3A_883 = arith.remui %scan3A_236, %rem3A_882 : i32
          %dma_wait3A_884 = arith.constant 0 : i32
          %dma_wait3A_885 = arith.constant 0 : i32
          %dma_wait3A_886 = tpu.memref_slice %run_scoped3A[%rem3A_883, %dma_wait3A_884, %dma_wait3A_885] : memref<2x1x128xf32, #tpu.memory_space<vmem>> -> memref<1x1x128xf32, #tpu.memory_space<vmem>>
          %dma_wait3A_887 = tpu.memref_squeeze %dma_wait3A_886 : memref<1x1x128xf32, #tpu.memory_space<vmem>> -> memref<1x128xf32, #tpu.memory_space<vmem>>
          %dma_wait3A_888 = tpu.memref_slice %arg2[%mul3A_879, %mul3A_881] : memref<5x1024xf32, #tpu.memory_space<hbm>> -> memref<1x128xf32, #tpu.memory_space<hbm>>
          %dma_wait3A_889 = tpu.memref_slice %run_scoped3A_7[%rem3A_883] : memref<2x!tpu.dma_semaphore, #tpu.memory_space<semaphore_mem>> -> memref<1x!tpu.dma_semaphore, #tpu.memory_space<semaphore_mem>>
          %dma_wait3A_890 = tpu.memref_squeeze %dma_wait3A_889 : memref<1x!tpu.dma_semaphore, #tpu.memory_space<semaphore_mem>> -> memref<!tpu.dma_semaphore, #tpu.memory_space<semaphore_mem>>
          %dma_wait3A_891 = arith.constant 0 : i32
          %dma_wait3A_892 = arith.constant 0 : i32
          %dma_wait3A_893 = tpu.memref_slice %run_scoped3A[%rem3A_883, %dma_wait3A_891, %dma_wait3A_892] : memref<2x1x128xf32, #tpu.memory_space<vmem>> -> memref<1x1x128xf32, #tpu.memory_space<vmem>>
          %dma_wait3A_894 = tpu.memref_squeeze %dma_wait3A_893 : memref<1x1x128xf32, #tpu.memory_space<vmem>> -> memref<1x128xf32, #tpu.memory_space<vmem>>
          %dma_wait3A_895 = tpu.memref_slice %arg2[%mul3A_879, %mul3A_881] : memref<5x1024xf32, #tpu.memory_space<hbm>> -> memref<1x128xf32, #tpu.memory_space<hbm>>
          tpu.wait_dma2 semaphore(%dma_wait3A_890 : memref<!tpu.dma_semaphore, #tpu.memory_space<semaphore_mem>>) src(%dma_wait3A_895 : memref<1x128xf32, #tpu.memory_space<hbm>>) dst(%dma_wait3A_894 : memref<1x128xf32, #tpu.memory_space<vmem>>)
          "tpu.trace_stop"() : () -> ()
        } else {
        }
        %ne3A_458 = arith.cmpi ne, %add3A_247, %add3A_265 : i32
        %ne3A_459 = arith.cmpi ne, %add3A_249, %add3A_267 : i32
        %or3A_460 = arith.constant false
        %or3A_461 = arith.ori %or3A_460, %ne3A_458 : i1
        %or3A_462 = arith.ori %or3A_461, %ne3A_459 : i1
        %or3A_463 = arith.ori %or3A_462, %eq3A_244 : i1
        %convert_element_type3A_464 = arith.extui %or3A_463 : i1 to i32
        %cond3A_465 = arith.constant 0 : i32
        %cond3A_466 = arith.cmpi ne, %convert_element_type3A_464, %cond3A_465 : i32
        scf.if %cond3A_466 {
          "tpu.trace_start"() <{level = 10 : i32, message = "ep_wait_in"}> : () -> ()
          %mul3A_852 = arith.constant 128 : i32
          %mul3A_853 = arith.muli %mul3A_852, %add3A_247 : i32
          %mul3A_854 = arith.constant 128 : i32
          %mul3A_855 = arith.muli %mul3A_854, %add3A_249 : i32
          %rem3A_856 = arith.constant 2 : i32
          %rem3A_857 = arith.remui %scan3A_238, %rem3A_856 : i32
          %dma_wait3A_858 = arith.constant 0 : i32
          %dma_wait3A_859 = arith.constant 0 : i32
          %dma_wait3A_860 = tpu.memref_slice %run_scoped3A_8[%rem3A_857, %dma_wait3A_858, %dma_wait3A_859] : memref<2x128x128xf32, #tpu.memory_space<vmem>> -> memref<1x128x128xf32, #tpu.memory_space<vmem>>
          %dma_wait3A_861 = tpu.memref_squeeze %dma_wait3A_860 : memref<1x128x128xf32, #tpu.memory_space<vmem>> -> memref<128x128xf32, #tpu.memory_space<vmem>>
          %dma_wait3A_862 = tpu.memref_slice %arg3[%mul3A_853, %mul3A_855] : memref<81920x1024xf32, #tpu.memory_space<hbm>> -> memref<128x128xf32, #tpu.memory_space<hbm>>
          %dma_wait3A_863 = tpu.memref_slice %run_scoped3A_9[%rem3A_857] : memref<2x!tpu.dma_semaphore, #tpu.memory_space<semaphore_mem>> -> memref<1x!tpu.dma_semaphore, #tpu.memory_space<semaphore_mem>>
          %dma_wait3A_864 = tpu.memref_squeeze %dma_wait3A_863 : memref<1x!tpu.dma_semaphore, #tpu.memory_space<semaphore_mem>> -> memref<!tpu.dma_semaphore, #tpu.memory_space<semaphore_mem>>
          %dma_wait3A_865 = arith.constant 0 : i32
          %dma_wait3A_866 = arith.constant 0 : i32
          %dma_wait3A_867 = tpu.memref_slice %run_scoped3A_8[%rem3A_857, %dma_wait3A_865, %dma_wait3A_866] : memref<2x128x128xf32, #tpu.memory_space<vmem>> -> memref<1x128x128xf32, #tpu.memory_space<vmem>>
          %dma_wait3A_868 = tpu.memref_squeeze %dma_wait3A_867 : memref<1x128x128xf32, #tpu.memory_space<vmem>> -> memref<128x128xf32, #tpu.memory_space<vmem>>
          %dma_wait3A_869 = tpu.memref_slice %arg3[%mul3A_853, %mul3A_855] : memref<81920x1024xf32, #tpu.memory_space<hbm>> -> memref<128x128xf32, #tpu.memory_space<hbm>>
          tpu.wait_dma2 semaphore(%dma_wait3A_864 : memref<!tpu.dma_semaphore, #tpu.memory_space<semaphore_mem>>) src(%dma_wait3A_869 : memref<128x128xf32, #tpu.memory_space<hbm>>) dst(%dma_wait3A_868 : memref<128x128xf32, #tpu.memory_space<vmem>>)
          "tpu.trace_stop"() : () -> ()
        } else {
        }
        %ne3A_467 = arith.cmpi ne, %add3A_247, %add3A_265 : i32
        %ne3A_468 = arith.cmpi ne, %add3A_249, %add3A_267 : i32
        %or3A_469 = arith.constant false
        %or3A_470 = arith.ori %or3A_469, %ne3A_467 : i1
        %or3A_471 = arith.ori %or3A_470, %ne3A_468 : i1
        %or3A_472 = arith.ori %or3A_471, %eq3A_244 : i1
        %convert_element_type3A_473 = arith.extui %or3A_472 : i1 to i32
        %cond3A_474 = arith.constant 0 : i32
        %cond3A_475 = arith.cmpi ne, %convert_element_type3A_473, %cond3A_474 : i32
        scf.if %cond3A_475 {
        } else {
        }
        %rem3A_476 = arith.constant 2 : i32
        %rem3A_477 = arith.remui %scan3A_236, %rem3A_476 : i32
        %rem3A_478 = arith.constant 2 : i32
        %rem3A_479 = arith.remui %scan3A_238, %rem3A_478 : i32
        %rem3A_480 = arith.constant 2 : i32
        %rem3A_481 = arith.remui %scan3A_239, %rem3A_480 : i32
        "tpu.trace_start"() <{level = 10 : i32, message = "ep_run_kernel"}> : () -> ()
        %get3A = arith.constant 0 : i32
        %get3A_482 = arith.constant 0 : i32
        %get3A_483 = tpu.memref_slice %run_scoped3A[%rem3A_477, %get3A, %get3A_482] : memref<2x1x128xf32, #tpu.memory_space<vmem>> -> memref<1x1x128xf32, #tpu.memory_space<vmem>>
        %get3A_484 = tpu.memref_squeeze %get3A_483 : memref<1x1x128xf32, #tpu.memory_space<vmem>> -> memref<1x128xf32, #tpu.memory_space<vmem>>
        %get3A_485 = arith.constant 0 : index
        %get3A_486 = arith.constant 0 : index
        %get3A_487 = tpu.vector_load %get3A_484[%get3A_485, %get3A_486] {strides = array<i32>} : memref<1x128xf32, #tpu.memory_space<vmem>>, vector<1x16xf32>,
        %get3A_488 = vector.shape_cast %get3A_487 : vector<1x16xf32> to vector<1x16xf32>
        %scan3A_489 = arith.constant 0 : i32
        %scan3A_490 = arith.constant 128 : i32
        %scan3A_491 = arith.addi %scan3A_489, %scan3A_490 : i32
        %scan3A_492 = arith.constant 1 : i32
        scf.for %scan3A_852 = %scan3A_489 to %scan3A_491 step %scan3A_492  : i32 {
          %mul3A_853 = arith.constant 1 : i32
          %mul3A_854 = arith.muli %scan3A_852, %mul3A_853 : i32
          %add3A_855 = arith.constant 0 : i32
          %add3A_856 = arith.addi %add3A_855, %mul3A_854 : i32
          %get3A_857 = arith.constant 0 : i32
          %get3A_858 = arith.constant 0 : i32
          %get3A_859 = tpu.memref_slice %run_scoped3A_8[%rem3A_479, %get3A_857, %get3A_858] : memref<2x128x128xf32, #tpu.memory_space<vmem>> -> memref<1x128x128xf32, #tpu.memory_space<vmem>>
          %get3A_860 = tpu.memref_squeeze %get3A_859 : memref<1x128x128xf32, #tpu.memory_space<vmem>> -> memref<128x128xf32, #tpu.memory_space<vmem>>
          %get3A_861 = arith.index_cast %add3A_856 : i32 to index
          %get3A_862 = arith.constant 0 : index
          %get3A_863 = tpu.vector_load %get3A_860[%get3A_861, %get3A_862] {strides = array<i32>} : memref<128x128xf32, #tpu.memory_space<vmem>>, vector<1x16xf32>,
          %get3A_864 = vector.shape_cast %get3A_863 : vector<1x16xf32> to vector<1x16xf32>
          %add3A_865 = arith.addf %get3A_864, %get3A_488 : vector<1x16xf32>
          %swap3A = arith.constant 0 : i32
          %swap3A_866 = arith.constant 0 : i32
          %swap3A_867 = tpu.memref_slice %run_scoped3A_10[%rem3A_481, %swap3A, %swap3A_866] : memref<2x128x128xf32, #tpu.memory_space<vmem>> -> memref<1x128x128xf32, #tpu.memory_space<vmem>>
          %swap3A_868 = tpu.memref_squeeze %swap3A_867 : memref<1x128x128xf32, #tpu.memory_space<vmem>> -> memref<128x128xf32, #tpu.memory_space<vmem>>
          %swap3A_869 = arith.index_cast %add3A_856 : i32 to index
          %swap3A_870 = arith.constant 0 : index
          %swap3A_871 = tpu.vector_load %swap3A_868[%swap3A_869, %swap3A_870] {strides = array<i32>} : memref<128x128xf32, #tpu.memory_space<vmem>>, vector<1x16xf32>,
          %swap3A_872 = vector.shape_cast %swap3A_871 : vector<1x16xf32> to vector<1x16xf32>
          %swap3A_873 = vector.shape_cast %add3A_865 : vector<1x16xf32> to vector<1x16xf32>
          tpu.vector_store %swap3A_868[%swap3A_869, %swap3A_870], %swap3A_873 {strides = array<i32>} : memref<128x128xf32, #tpu.memory_space<vmem>>, vector<1x16xf32>,
        }
        %scan3A_493 = arith.constant 128 : i32
        %get3A_494 = arith.constant 0 : i32
        %get3A_495 = arith.constant 0 : i32
        %get3A_496 = tpu.memref_slice %run_scoped3A[%rem3A_477, %get3A_494, %get3A_495] : memref<2x1x128xf32, #tpu.memory_space<vmem>> -> memref<1x1x128xf32, #tpu.memory_space<vmem>>
        %get3A_497 = tpu.memref_squeeze %get3A_496 : memref<1x1x128xf32, #tpu.memory_space<vmem>> -> memref<1x128xf32, #tpu.memory_space<vmem>>
        %get3A_498 = arith.constant 0 : index
        %get3A_499 = arith.constant 16 : index
        %get3A_500 = tpu.vector_load %get3A_497[%get3A_498, %get3A_499] {strides = array<i32>} : memref<1x128xf32, #tpu.memory_space<vmem>>, vector<1x16xf32>,
        %get3A_501 = vector.shape_cast %get3A_500 : vector<1x16xf32> to vector<1x16xf32>
        %scan3A_502 = arith.constant 0 : i32
        %scan3A_503 = arith.constant 128 : i32
        %scan3A_504 = arith.addi %scan3A_502, %scan3A_503 : i32
        %scan3A_505 = arith.constant 1 : i32
        scf.for %scan3A_852 = %scan3A_502 to %scan3A_504 step %scan3A_505  : i32 {
          %mul3A_853 = arith.constant 1 : i32
          %mul3A_854 = arith.muli %scan3A_852, %mul3A_853 : i32
          %add3A_855 = arith.constant 0 : i32
          %add3A_856 = arith.addi %add3A_855, %mul3A_854 : i32
          %get3A_857 = arith.constant 0 : i32
          %get3A_858 = arith.constant 0 : i32
          %get3A_859 = tpu.memref_slice %run_scoped3A_8[%rem3A_479, %get3A_857, %get3A_858] : memref<2x128x128xf32, #tpu.memory_space<vmem>> -> memref<1x128x128xf32, #tpu.memory_space<vmem>>
          %get3A_860 = tpu.memref_squeeze %get3A_859 : memref<1x128x128xf32, #tpu.memory_space<vmem>> -> memref<128x128xf32, #tpu.memory_space<vmem>>
          %get3A_861 = arith.index_cast %add3A_856 : i32 to index
          %get3A_862 = arith.constant 16 : index
          %get3A_863 = tpu.vector_load %get3A_860[%get3A_861, %get3A_862] {strides = array<i32>} : memref<128x128xf32, #tpu.memory_space<vmem>>, vector<1x16xf32>,
          %get3A_864 = vector.shape_cast %get3A_863 : vector<1x16xf32> to vector<1x16xf32>
          %add3A_865 = arith.addf %get3A_864, %get3A_501 : vector<1x16xf32>
          %swap3A = arith.constant 0 : i32
          %swap3A_866 = arith.constant 0 : i32
          %swap3A_867 = tpu.memref_slice %run_scoped3A_10[%rem3A_481, %swap3A, %swap3A_866] : memref<2x128x128xf32, #tpu.memory_space<vmem>> -> memref<1x128x128xf32, #tpu.memory_space<vmem>>
          %swap3A_868 = tpu.memref_squeeze %swap3A_867 : memref<1x128x128xf32, #tpu.memory_space<vmem>> -> memref<128x128xf32, #tpu.memory_space<vmem>>
          %swap3A_869 = arith.index_cast %add3A_856 : i32 to index
          %swap3A_870 = arith.constant 16 : index
          %swap3A_871 = tpu.vector_load %swap3A_868[%swap3A_869, %swap3A_870] {strides = array<i32>} : memref<128x128xf32, #tpu.memory_space<vmem>>, vector<1x16xf32>,
          %swap3A_872 = vector.shape_cast %swap3A_871 : vector<1x16xf32> to vector<1x16xf32>
          %swap3A_873 = vector.shape_cast %add3A_865 : vector<1x16xf32> to vector<1x16xf32>
          tpu.vector_store %swap3A_868[%swap3A_869, %swap3A_870], %swap3A_873 {strides = array<i32>} : memref<128x128xf32, #tpu.memory_space<vmem>>, vector<1x16xf32>,
        }
        %scan3A_506 = arith.constant 128 : i32
        %get3A_507 = arith.constant 0 : i32
        %get3A_508 = arith.constant 0 : i32
        %get3A_509 = tpu.memref_slice %run_scoped3A[%rem3A_477, %get3A_507, %get3A_508] : memref<2x1x128xf32, #tpu.memory_space<vmem>> -> memref<1x1x128xf32, #tpu.memory_space<vmem>>
        %get3A_510 = tpu.memref_squeeze %get3A_509 : memref<1x1x128xf32, #tpu.memory_space<vmem>> -> memref<1x128xf32, #tpu.memory_space<vmem>>
        %get3A_511 = arith.constant 0 : index
        %get3A_512 = arith.constant 32 : index
        %get3A_513 = tpu.vector_load %get3A_510[%get3A_511, %get3A_512] {strides = array<i32>} : memref<1x128xf32, #tpu.memory_space<vmem>>, vector<1x16xf32>,
        %get3A_514 = vector.shape_cast %get3A_513 : vector<1x16xf32> to vector<1x16xf32>
        %scan3A_515 = arith.constant 0 : i32
        %scan3A_516 = arith.constant 128 : i32
        %scan3A_517 = arith.addi %scan3A_515, %scan3A_516 : i32
        %scan3A_518 = arith.constant 1 : i32
        scf.for %scan3A_852 = %scan3A_515 to %scan3A_517 step %scan3A_518  : i32 {
          %mul3A_853 = arith.constant 1 : i32
          %mul3A_854 = arith.muli %scan3A_852, %mul3A_853 : i32
          %add3A_855 = arith.constant 0 : i32
          %add3A_856 = arith.addi %add3A_855, %mul3A_854 : i32
          %get3A_857 = arith.constant 0 : i32
          %get3A_858 = arith.constant 0 : i32
          %get3A_859 = tpu.memref_slice %run_scoped3A_8[%rem3A_479, %get3A_857, %get3A_858] : memref<2x128x128xf32, #tpu.memory_space<vmem>> -> memref<1x128x128xf32, #tpu.memory_space<vmem>>
          %get3A_860 = tpu.memref_squeeze %get3A_859 : memref<1x128x128xf32, #tpu.memory_space<vmem>> -> memref<128x128xf32, #tpu.memory_space<vmem>>
          %get3A_861 = arith.index_cast %add3A_856 : i32 to index
          %get3A_862 = arith.constant 32 : index
          %get3A_863 = tpu.vector_load %get3A_860[%get3A_861, %get3A_862] {strides = array<i32>} : memref<128x128xf32, #tpu.memory_space<vmem>>, vector<1x16xf32>,
          %get3A_864 = vector.shape_cast %get3A_863 : vector<1x16xf32> to vector<1x16xf32>
          %add3A_865 = arith.addf %get3A_864, %get3A_514 : vector<1x16xf32>
          %swap3A = arith.constant 0 : i32
          %swap3A_866 = arith.constant 0 : i32
          %swap3A_867 = tpu.memref_slice %run_scoped3A_10[%rem3A_481, %swap3A, %swap3A_866] : memref<2x128x128xf32, #tpu.memory_space<vmem>> -> memref<1x128x128xf32, #tpu.memory_space<vmem>>
          %swap3A_868 = tpu.memref_squeeze %swap3A_867 : memref<1x128x128xf32, #tpu.memory_space<vmem>> -> memref<128x128xf32, #tpu.memory_space<vmem>>
          %swap3A_869 = arith.index_cast %add3A_856 : i32 to index
          %swap3A_870 = arith.constant 32 : index
          %swap3A_871 = tpu.vector_load %swap3A_868[%swap3A_869, %swap3A_870] {strides = array<i32>} : memref<128x128xf32, #tpu.memory_space<vmem>>, vector<1x16xf32>,
          %swap3A_872 = vector.shape_cast %swap3A_871 : vector<1x16xf32> to vector<1x16xf32>
          %swap3A_873 = vector.shape_cast %add3A_865 : vector<1x16xf32> to vector<1x16xf32>
          tpu.vector_store %swap3A_868[%swap3A_869, %swap3A_870], %swap3A_873 {strides = array<i32>} : memref<128x128xf32, #tpu.memory_space<vmem>>, vector<1x16xf32>,
        }
        %scan3A_519 = arith.constant 128 : i32
        %get3A_520 = arith.constant 0 : i32
        %get3A_521 = arith.constant 0 : i32
        %get3A_522 = tpu.memref_slice %run_scoped3A[%rem3A_477, %get3A_520, %get3A_521] : memref<2x1x128xf32, #tpu.memory_space<vmem>> -> memref<1x1x128xf32, #tpu.memory_space<vmem>>
        %get3A_523 = tpu.memref_squeeze %get3A_522 : memref<1x1x128xf32, #tpu.memory_space<vmem>> -> memref<1x128xf32, #tpu.memory_space<vmem>>
        %get3A_524 = arith.constant 0 : index
        %get3A_525 = arith.constant 48 : index
        %get3A_526 = tpu.vector_load %get3A_523[%get3A_524, %get3A_525] {strides = array<i32>} : memref<1x128xf32, #tpu.memory_space<vmem>>, vector<1x16xf32>,
        %get3A_527 = vector.shape_cast %get3A_526 : vector<1x16xf32> to vector<1x16xf32>
        %scan3A_528 = arith.constant 0 : i32
        %scan3A_529 = arith.constant 128 : i32
        %scan3A_530 = arith.addi %scan3A_528, %scan3A_529 : i32
        %scan3A_531 = arith.constant 1 : i32
        scf.for %scan3A_852 = %scan3A_528 to %scan3A_530 step %scan3A_531  : i32 {
          %mul3A_853 = arith.constant 1 : i32
          %mul3A_854 = arith.muli %scan3A_852, %mul3A_853 : i32
          %add3A_855 = arith.constant 0 : i32
          %add3A_856 = arith.addi %add3A_855, %mul3A_854 : i32
          %get3A_857 = arith.constant 0 : i32
          %get3A_858 = arith.constant 0 : i32
          %get3A_859 = tpu.memref_slice %run_scoped3A_8[%rem3A_479, %get3A_857, %get3A_858] : memref<2x128x128xf32, #tpu.memory_space<vmem>> -> memref<1x128x128xf32, #tpu.memory_space<vmem>>
          %get3A_860 = tpu.memref_squeeze %get3A_859 : memref<1x128x128xf32, #tpu.memory_space<vmem>> -> memref<128x128xf32, #tpu.memory_space<vmem>>
          %get3A_861 = arith.index_cast %add3A_856 : i32 to index
          %get3A_862 = arith.constant 48 : index
          %get3A_863 = tpu.vector_load %get3A_860[%get3A_861, %get3A_862] {strides = array<i32>} : memref<128x128xf32, #tpu.memory_space<vmem>>, vector<1x16xf32>,
          %get3A_864 = vector.shape_cast %get3A_863 : vector<1x16xf32> to vector<1x16xf32>
          %add3A_865 = arith.addf %get3A_864, %get3A_527 : vector<1x16xf32>
          %swap3A = arith.constant 0 : i32
          %swap3A_866 = arith.constant 0 : i32
          %swap3A_867 = tpu.memref_slice %run_scoped3A_10[%rem3A_481, %swap3A, %swap3A_866] : memref<2x128x128xf32, #tpu.memory_space<vmem>> -> memref<1x128x128xf32, #tpu.memory_space<vmem>>
          %swap3A_868 = tpu.memref_squeeze %swap3A_867 : memref<1x128x128xf32, #tpu.memory_space<vmem>> -> memref<128x128xf32, #tpu.memory_space<vmem>>
          %swap3A_869 = arith.index_cast %add3A_856 : i32 to index
          %swap3A_870 = arith.constant 48 : index
          %swap3A_871 = tpu.vector_load %swap3A_868[%swap3A_869, %swap3A_870] {strides = array<i32>} : memref<128x128xf32, #tpu.memory_space<vmem>>, vector<1x16xf32>,
          %swap3A_872 = vector.shape_cast %swap3A_871 : vector<1x16xf32> to vector<1x16xf32>
          %swap3A_873 = vector.shape_cast %add3A_865 : vector<1x16xf32> to vector<1x16xf32>
          tpu.vector_store %swap3A_868[%swap3A_869, %swap3A_870], %swap3A_873 {strides = array<i32>} : memref<128x128xf32, #tpu.memory_space<vmem>>, vector<1x16xf32>,
        }
        %scan3A_532 = arith.constant 128 : i32
        %get3A_533 = arith.constant 0 : i32
        %get3A_534 = arith.constant 0 : i32
        %get3A_535 = tpu.memref_slice %run_scoped3A[%rem3A_477, %get3A_533, %get3A_534] : memref<2x1x128xf32, #tpu.memory_space<vmem>> -> memref<1x1x128xf32, #tpu.memory_space<vmem>>
        %get3A_536 = tpu.memref_squeeze %get3A_535 : memref<1x1x128xf32, #tpu.memory_space<vmem>> -> memref<1x128xf32, #tpu.memory_space<vmem>>
        %get3A_537 = arith.constant 0 : index
        %get3A_538 = arith.constant 64 : index
        %get3A_539 = tpu.vector_load %get3A_536[%get3A_537, %get3A_538] {strides = array<i32>} : memref<1x128xf32, #tpu.memory_space<vmem>>, vector<1x16xf32>,
        %get3A_540 = vector.shape_cast %get3A_539 : vector<1x16xf32> to vector<1x16xf32>
        %scan3A_541 = arith.constant 0 : i32
        %scan3A_542 = arith.constant 128 : i32
        %scan3A_543 = arith.addi %scan3A_541, %scan3A_542 : i32
        %scan3A_544 = arith.constant 1 : i32
        scf.for %scan3A_852 = %scan3A_541 to %scan3A_543 step %scan3A_544  : i32 {
          %mul3A_853 = arith.constant 1 : i32
          %mul3A_854 = arith.muli %scan3A_852, %mul3A_853 : i32
          %add3A_855 = arith.constant 0 : i32
          %add3A_856 = arith.addi %add3A_855, %mul3A_854 : i32
          %get3A_857 = arith.constant 0 : i32
          %get3A_858 = arith.constant 0 : i32
          %get3A_859 = tpu.memref_slice %run_scoped3A_8[%rem3A_479, %get3A_857, %get3A_858] : memref<2x128x128xf32, #tpu.memory_space<vmem>> -> memref<1x128x128xf32, #tpu.memory_space<vmem>>
          %get3A_860 = tpu.memref_squeeze %get3A_859 : memref<1x128x128xf32, #tpu.memory_space<vmem>> -> memref<128x128xf32, #tpu.memory_space<vmem>>
          %get3A_861 = arith.index_cast %add3A_856 : i32 to index
          %get3A_862 = arith.constant 64 : index
          %get3A_863 = tpu.vector_load %get3A_860[%get3A_861, %get3A_862] {strides = array<i32>} : memref<128x128xf32, #tpu.memory_space<vmem>>, vector<1x16xf32>,
          %get3A_864 = vector.shape_cast %get3A_863 : vector<1x16xf32> to vector<1x16xf32>
          %add3A_865 = arith.addf %get3A_864, %get3A_540 : vector<1x16xf32>
          %swap3A = arith.constant 0 : i32
          %swap3A_866 = arith.constant 0 : i32
          %swap3A_867 = tpu.memref_slice %run_scoped3A_10[%rem3A_481, %swap3A, %swap3A_866] : memref<2x128x128xf32, #tpu.memory_space<vmem>> -> memref<1x128x128xf32, #tpu.memory_space<vmem>>
          %swap3A_868 = tpu.memref_squeeze %swap3A_867 : memref<1x128x128xf32, #tpu.memory_space<vmem>> -> memref<128x128xf32, #tpu.memory_space<vmem>>
          %swap3A_869 = arith.index_cast %add3A_856 : i32 to index
          %swap3A_870 = arith.constant 64 : index
          %swap3A_871 = tpu.vector_load %swap3A_868[%swap3A_869, %swap3A_870] {strides = array<i32>} : memref<128x128xf32, #tpu.memory_space<vmem>>, vector<1x16xf32>,
          %swap3A_872 = vector.shape_cast %swap3A_871 : vector<1x16xf32> to vector<1x16xf32>
          %swap3A_873 = vector.shape_cast %add3A_865 : vector<1x16xf32> to vector<1x16xf32>
          tpu.vector_store %swap3A_868[%swap3A_869, %swap3A_870], %swap3A_873 {strides = array<i32>} : memref<128x128xf32, #tpu.memory_space<vmem>>, vector<1x16xf32>,
        }
        %scan3A_545 = arith.constant 128 : i32
        %get3A_546 = arith.constant 0 : i32
        %get3A_547 = arith.constant 0 : i32
        %get3A_548 = tpu.memref_slice %run_scoped3A[%rem3A_477, %get3A_546, %get3A_547] : memref<2x1x128xf32, #tpu.memory_space<vmem>> -> memref<1x1x128xf32, #tpu.memory_space<vmem>>
        %get3A_549 = tpu.memref_squeeze %get3A_548 : memref<1x1x128xf32, #tpu.memory_space<vmem>> -> memref<1x128xf32, #tpu.memory_space<vmem>>
        %get3A_550 = arith.constant 0 : index
        %get3A_551 = arith.constant 80 : index
        %get3A_552 = tpu.vector_load %get3A_549[%get3A_550, %get3A_551] {strides = array<i32>} : memref<1x128xf32, #tpu.memory_space<vmem>>, vector<1x16xf32>,
        %get3A_553 = vector.shape_cast %get3A_552 : vector<1x16xf32> to vector<1x16xf32>
        %scan3A_554 = arith.constant 0 : i32
        %scan3A_555 = arith.constant 128 : i32
        %scan3A_556 = arith.addi %scan3A_554, %scan3A_555 : i32
        %scan3A_557 = arith.constant 1 : i32
        scf.for %scan3A_852 = %scan3A_554 to %scan3A_556 step %scan3A_557  : i32 {
          %mul3A_853 = arith.constant 1 : i32
          %mul3A_854 = arith.muli %scan3A_852, %mul3A_853 : i32
          %add3A_855 = arith.constant 0 : i32
          %add3A_856 = arith.addi %add3A_855, %mul3A_854 : i32
          %get3A_857 = arith.constant 0 : i32
          %get3A_858 = arith.constant 0 : i32
          %get3A_859 = tpu.memref_slice %run_scoped3A_8[%rem3A_479, %get3A_857, %get3A_858] : memref<2x128x128xf32, #tpu.memory_space<vmem>> -> memref<1x128x128xf32, #tpu.memory_space<vmem>>
          %get3A_860 = tpu.memref_squeeze %get3A_859 : memref<1x128x128xf32, #tpu.memory_space<vmem>> -> memref<128x128xf32, #tpu.memory_space<vmem>>
          %get3A_861 = arith.index_cast %add3A_856 : i32 to index
          %get3A_862 = arith.constant 80 : index
          %get3A_863 = tpu.vector_load %get3A_860[%get3A_861, %get3A_862] {strides = array<i32>} : memref<128x128xf32, #tpu.memory_space<vmem>>, vector<1x16xf32>,
          %get3A_864 = vector.shape_cast %get3A_863 : vector<1x16xf32> to vector<1x16xf32>
          %add3A_865 = arith.addf %get3A_864, %get3A_553 : vector<1x16xf32>
          %swap3A = arith.constant 0 : i32
          %swap3A_866 = arith.constant 0 : i32
          %swap3A_867 = tpu.memref_slice %run_scoped3A_10[%rem3A_481, %swap3A, %swap3A_866] : memref<2x128x128xf32, #tpu.memory_space<vmem>> -> memref<1x128x128xf32, #tpu.memory_space<vmem>>
          %swap3A_868 = tpu.memref_squeeze %swap3A_867 : memref<1x128x128xf32, #tpu.memory_space<vmem>> -> memref<128x128xf32, #tpu.memory_space<vmem>>
          %swap3A_869 = arith.index_cast %add3A_856 : i32 to index
          %swap3A_870 = arith.constant 80 : index
          %swap3A_871 = tpu.vector_load %swap3A_868[%swap3A_869, %swap3A_870] {strides = array<i32>} : memref<128x128xf32, #tpu.memory_space<vmem>>, vector<1x16xf32>,
          %swap3A_872 = vector.shape_cast %swap3A_871 : vector<1x16xf32> to vector<1x16xf32>
          %swap3A_873 = vector.shape_cast %add3A_865 : vector<1x16xf32> to vector<1x16xf32>
          tpu.vector_store %swap3A_868[%swap3A_869, %swap3A_870], %swap3A_873 {strides = array<i32>} : memref<128x128xf32, #tpu.memory_space<vmem>>, vector<1x16xf32>,
        }
        %scan3A_558 = arith.constant 128 : i32
        %get3A_559 = arith.constant 0 : i32
        %get3A_560 = arith.constant 0 : i32
        %get3A_561 = tpu.memref_slice %run_scoped3A[%rem3A_477, %get3A_559, %get3A_560] : memref<2x1x128xf32, #tpu.memory_space<vmem>> -> memref<1x1x128xf32, #tpu.memory_space<vmem>>
        %get3A_562 = tpu.memref_squeeze %get3A_561 : memref<1x1x128xf32, #tpu.memory_space<vmem>> -> memref<1x128xf32, #tpu.memory_space<vmem>>
        %get3A_563 = arith.constant 0 : index
        %get3A_564 = arith.constant 96 : index
        %get3A_565 = tpu.vector_load %get3A_562[%get3A_563, %get3A_564] {strides = array<i32>} : memref<1x128xf32, #tpu.memory_space<vmem>>, vector<1x16xf32>,
        %get3A_566 = vector.shape_cast %get3A_565 : vector<1x16xf32> to vector<1x16xf32>
        %scan3A_567 = arith.constant 0 : i32
        %scan3A_568 = arith.constant 128 : i32
        %scan3A_569 = arith.addi %scan3A_567, %scan3A_568 : i32
        %scan3A_570 = arith.constant 1 : i32
        scf.for %scan3A_852 = %scan3A_567 to %scan3A_569 step %scan3A_570  : i32 {
          %mul3A_853 = arith.constant 1 : i32
          %mul3A_854 = arith.muli %scan3A_852, %mul3A_853 : i32
          %add3A_855 = arith.constant 0 : i32
          %add3A_856 = arith.addi %add3A_855, %mul3A_854 : i32
          %get3A_857 = arith.constant 0 : i32
          %get3A_858 = arith.constant 0 : i32
          %get3A_859 = tpu.memref_slice %run_scoped3A_8[%rem3A_479, %get3A_857, %get3A_858] : memref<2x128x128xf32, #tpu.memory_space<vmem>> -> memref<1x128x128xf32, #tpu.memory_space<vmem>>
          %get3A_860 = tpu.memref_squeeze %get3A_859 : memref<1x128x128xf32, #tpu.memory_space<vmem>> -> memref<128x128xf32, #tpu.memory_space<vmem>>
          %get3A_861 = arith.index_cast %add3A_856 : i32 to index
          %get3A_862 = arith.constant 96 : index
          %get3A_863 = tpu.vector_load %get3A_860[%get3A_861, %get3A_862] {strides = array<i32>} : memref<128x128xf32, #tpu.memory_space<vmem>>, vector<1x16xf32>,
          %get3A_864 = vector.shape_cast %get3A_863 : vector<1x16xf32> to vector<1x16xf32>
          %add3A_865 = arith.addf %get3A_864, %get3A_566 : vector<1x16xf32>
          %swap3A = arith.constant 0 : i32
          %swap3A_866 = arith.constant 0 : i32
          %swap3A_867 = tpu.memref_slice %run_scoped3A_10[%rem3A_481, %swap3A, %swap3A_866] : memref<2x128x128xf32, #tpu.memory_space<vmem>> -> memref<1x128x128xf32, #tpu.memory_space<vmem>>
          %swap3A_868 = tpu.memref_squeeze %swap3A_867 : memref<1x128x128xf32, #tpu.memory_space<vmem>> -> memref<128x128xf32, #tpu.memory_space<vmem>>
          %swap3A_869 = arith.index_cast %add3A_856 : i32 to index
          %swap3A_870 = arith.constant 96 : index
          %swap3A_871 = tpu.vector_load %swap3A_868[%swap3A_869, %swap3A_870] {strides = array<i32>} : memref<128x128xf32, #tpu.memory_space<vmem>>, vector<1x16xf32>,
          %swap3A_872 = vector.shape_cast %swap3A_871 : vector<1x16xf32> to vector<1x16xf32>
          %swap3A_873 = vector.shape_cast %add3A_865 : vector<1x16xf32> to vector<1x16xf32>
          tpu.vector_store %swap3A_868[%swap3A_869, %swap3A_870], %swap3A_873 {strides = array<i32>} : memref<128x128xf32, #tpu.memory_space<vmem>>, vector<1x16xf32>,
        }
        %scan3A_571 = arith.constant 128 : i32
        %get3A_572 = arith.constant 0 : i32
        %get3A_573 = arith.constant 0 : i32
        %get3A_574 = tpu.memref_slice %run_scoped3A[%rem3A_477, %get3A_572, %get3A_573] : memref<2x1x128xf32, #tpu.memory_space<vmem>> -> memref<1x1x128xf32, #tpu.memory_space<vmem>>
        %get3A_575 = tpu.memref_squeeze %get3A_574 : memref<1x1x128xf32, #tpu.memory_space<vmem>> -> memref<1x128xf32, #tpu.memory_space<vmem>>
        %get3A_576 = arith.constant 0 : index
        %get3A_577 = arith.constant 112 : index
        %get3A_578 = tpu.vector_load %get3A_575[%get3A_576, %get3A_577] {strides = array<i32>} : memref<1x128xf32, #tpu.memory_space<vmem>>, vector<1x16xf32>,
        %get3A_579 = vector.shape_cast %get3A_578 : vector<1x16xf32> to vector<1x16xf32>
        %scan3A_580 = arith.constant 0 : i32
        %scan3A_581 = arith.constant 128 : i32
        %scan3A_582 = arith.addi %scan3A_580, %scan3A_581 : i32
        %scan3A_583 = arith.constant 1 : i32
        scf.for %scan3A_852 = %scan3A_580 to %scan3A_582 step %scan3A_583  : i32 {
          %mul3A_853 = arith.constant 1 : i32
          %mul3A_854 = arith.muli %scan3A_852, %mul3A_853 : i32
          %add3A_855 = arith.constant 0 : i32
          %add3A_856 = arith.addi %add3A_855, %mul3A_854 : i32
          %get3A_857 = arith.constant 0 : i32
          %get3A_858 = arith.constant 0 : i32
          %get3A_859 = tpu.memref_slice %run_scoped3A_8[%rem3A_479, %get3A_857, %get3A_858] : memref<2x128x128xf32, #tpu.memory_space<vmem>> -> memref<1x128x128xf32, #tpu.memory_space<vmem>>
          %get3A_860 = tpu.memref_squeeze %get3A_859 : memref<1x128x128xf32, #tpu.memory_space<vmem>> -> memref<128x128xf32, #tpu.memory_space<vmem>>
          %get3A_861 = arith.index_cast %add3A_856 : i32 to index
          %get3A_862 = arith.constant 112 : index
          %get3A_863 = tpu.vector_load %get3A_860[%get3A_861, %get3A_862] {strides = array<i32>} : memref<128x128xf32, #tpu.memory_space<vmem>>, vector<1x16xf32>,
          %get3A_864 = vector.shape_cast %get3A_863 : vector<1x16xf32> to vector<1x16xf32>
          %add3A_865 = arith.addf %get3A_864, %get3A_579 : vector<1x16xf32>
          %swap3A = arith.constant 0 : i32
          %swap3A_866 = arith.constant 0 : i32
          %swap3A_867 = tpu.memref_slice %run_scoped3A_10[%rem3A_481, %swap3A, %swap3A_866] : memref<2x128x128xf32, #tpu.memory_space<vmem>> -> memref<1x128x128xf32, #tpu.memory_space<vmem>>
          %swap3A_868 = tpu.memref_squeeze %swap3A_867 : memref<1x128x128xf32, #tpu.memory_space<vmem>> -> memref<128x128xf32, #tpu.memory_space<vmem>>
          %swap3A_869 = arith.index_cast %add3A_856 : i32 to index
          %swap3A_870 = arith.constant 112 : index
          %swap3A_871 = tpu.vector_load %swap3A_868[%swap3A_869, %swap3A_870] {strides = array<i32>} : memref<128x128xf32, #tpu.memory_space<vmem>>, vector<1x16xf32>,
          %swap3A_872 = vector.shape_cast %swap3A_871 : vector<1x16xf32> to vector<1x16xf32>
          %swap3A_873 = vector.shape_cast %add3A_865 : vector<1x16xf32> to vector<1x16xf32>
          tpu.vector_store %swap3A_868[%swap3A_869, %swap3A_870], %swap3A_873 {strides = array<i32>} : memref<128x128xf32, #tpu.memory_space<vmem>>, vector<1x16xf32>,
        }
        %scan3A_584 = arith.constant 128 : i32
        "tpu.trace_stop"() : () -> ()
        %mul3A_585 = arith.constant 128 : i32
        %mul3A_586 = arith.muli %add3A_247, %mul3A_585 : i32
        %jit3A_587 = arith.constant 16384 : i32
        %div3A_588 = arith.divsi %mul3A_586, %jit3A_587 : i32
        %sign3A_589 = arith.constant 0 : i32
        %sign3A_590 = arith.cmpi sgt, %mul3A_586, %sign3A_589 : i32
        %sign3A_591 = arith.extui %sign3A_590 : i1 to i32
        %sign3A_592 = arith.constant 0 : i32
        %sign3A_593 = arith.cmpi slt, %mul3A_586, %sign3A_592 : i32
        %sign3A_594 = arith.extui %sign3A_593 : i1 to i32
        %sign3A_595 = arith.subi %sign3A_591, %sign3A_594 : i32
        %sign3A_596 = arith.constant 0 : i32
        %sign3A_597 = arith.cmpi sgt, %jit3A_587, %sign3A_596 : i32
        %sign3A_598 = arith.extui %sign3A_597 : i1 to i32
        %sign3A_599 = arith.constant 0 : i32
        %sign3A_600 = arith.cmpi slt, %jit3A_587, %sign3A_599 : i32
        %sign3A_601 = arith.extui %sign3A_600 : i1 to i32
        %sign3A_602 = arith.subi %sign3A_598, %sign3A_601 : i32
        %ne3A_603 = arith.cmpi ne, %sign3A_595, %sign3A_602 : i32
        %rem3A_604 = arith.remsi %mul3A_586, %jit3A_587 : i32
        %ne3A_605 = arith.constant 0 : i32
        %ne3A_606 = arith.cmpi ne, %rem3A_604, %ne3A_605 : i32
        %and3A_607 = arith.andi %ne3A_603, %ne3A_606 : i1
        %sub3A_608 = arith.constant 1 : i32
        %sub3A_609 = arith.subi %div3A_588, %sub3A_608 : i32
        %select_n3A_610 = arith.select %and3A_607, %sub3A_609, %div3A_588 : i32
        %mul3A_611 = arith.constant 128 : i32
        %mul3A_612 = arith.muli %add3A_283, %mul3A_611 : i32
        %jit3A_613 = arith.constant 16384 : i32
        %div3A_614 = arith.divsi %mul3A_612, %jit3A_613 : i32
        %sign3A_615 = arith.constant 0 : i32
        %sign3A_616 = arith.cmpi sgt, %mul3A_612, %sign3A_615 : i32
        %sign3A_617 = arith.extui %sign3A_616 : i1 to i32
        %sign3A_618 = arith.constant 0 : i32
        %sign3A_619 = arith.cmpi slt, %mul3A_612, %sign3A_618 : i32
        %sign3A_620 = arith.extui %sign3A_619 : i1 to i32
        %sign3A_621 = arith.subi %sign3A_617, %sign3A_620 : i32
        %sign3A_622 = arith.constant 0 : i32
        %sign3A_623 = arith.cmpi sgt, %jit3A_613, %sign3A_622 : i32
        %sign3A_624 = arith.extui %sign3A_623 : i1 to i32
        %sign3A_625 = arith.constant 0 : i32
        %sign3A_626 = arith.cmpi slt, %jit3A_613, %sign3A_625 : i32
        %sign3A_627 = arith.extui %sign3A_626 : i1 to i32
        %sign3A_628 = arith.subi %sign3A_624, %sign3A_627 : i32
        %ne3A_629 = arith.cmpi ne, %sign3A_621, %sign3A_628 : i32
        %rem3A_630 = arith.remsi %mul3A_612, %jit3A_613 : i32
        %ne3A_631 = arith.constant 0 : i32
        %ne3A_632 = arith.cmpi ne, %rem3A_630, %ne3A_631 : i32
        %and3A_633 = arith.andi %ne3A_629, %ne3A_632 : i1
        %sub3A_634 = arith.constant 1 : i32
        %sub3A_635 = arith.subi %div3A_614, %sub3A_634 : i32
        %select_n3A_636 = arith.select %and3A_633, %sub3A_635, %div3A_614 : i32
        %ne3A_637 = arith.cmpi ne, %select_n3A_610, %select_n3A_636 : i32
        %ne3A_638 = arith.cmpi ne, %add3A_249, %add3A_285 : i32
        %or3A_639 = arith.constant false
        %or3A_640 = arith.ori %or3A_639, %ne3A_637 : i1
        %or3A_641 = arith.ori %or3A_640, %ne3A_638 : i1
        %or3A_642 = arith.ori %or3A_641, %eq3A_246 : i1
        %convert_element_type3A_643 = arith.extui %or3A_642 : i1 to i32
        %cond3A_644 = arith.constant 0 : i32
        %cond3A_645 = arith.cmpi ne, %convert_element_type3A_643, %cond3A_644 : i32
        scf.if %cond3A_645 {
        } else {
        }
        %and3A_646 = arith.constant false
        %and3A_647 = arith.andi %or3A_642, %and3A_646 : i1
        %ne3A_648 = arith.cmpi ne, %add3A_247, %add3A_283 : i32
        %ne3A_649 = arith.cmpi ne, %add3A_249, %add3A_285 : i32
        %or3A_650 = arith.constant false
        %or3A_651 = arith.ori %or3A_650, %ne3A_648 : i1
        %or3A_652 = arith.ori %or3A_651, %ne3A_649 : i1
        %or3A_653 = arith.ori %or3A_652, %eq3A_246 : i1
        %convert_element_type3A_654 = arith.extui %or3A_653 : i1 to i32
        %cond3A_655 = arith.constant 0 : i32
        %cond3A_656 = arith.cmpi ne, %convert_element_type3A_654, %cond3A_655 : i32
        scf.if %cond3A_656 {
        } else {
        }
        %and3A_657 = arith.constant false
        %and3A_658 = arith.andi %or3A_653, %and3A_657 : i1
        %ne3A_659 = arith.cmpi ne, %add3A_247, %add3A_283 : i32
        %ne3A_660 = arith.cmpi ne, %add3A_249, %add3A_285 : i32
        %or3A_661 = arith.constant false
        %or3A_662 = arith.ori %or3A_661, %ne3A_659 : i1
        %or3A_663 = arith.ori %or3A_662, %ne3A_660 : i1
        %or3A_664 = arith.ori %or3A_663, %eq3A_246 : i1
        %convert_element_type3A_665 = arith.extui %or3A_664 : i1 to i32
        %cond3A_666 = arith.constant 0 : i32
        %cond3A_667 = arith.cmpi ne, %convert_element_type3A_665, %cond3A_666 : i32
        scf.if %cond3A_667 {
          "tpu.trace_start"() <{level = 10 : i32, message = "ep_copy_out"}> : () -> ()
          %rem3A_852 = arith.constant 2 : i32
          %rem3A_853 = arith.remui %scan3A_239, %rem3A_852 : i32
          %mul3A_854 = arith.constant 128 : i32
          %mul3A_855 = arith.muli %mul3A_854, %add3A_247 : i32
          %mul3A_856 = arith.constant 128 : i32
          %mul3A_857 = arith.muli %mul3A_856, %add3A_249 : i32
          %dma_start3A_858 = arith.constant 0 : i32
          %dma_start3A_859 = arith.constant 0 : i32
          %dma_start3A_860 = tpu.memref_slice %run_scoped3A_10[%rem3A_853, %dma_start3A_858, %dma_start3A_859] : memref<2x128x128xf32, #tpu.memory_space<vmem>> -> memref<1x128x128xf32, #tpu.memory_space<vmem>>
          %dma_start3A_861 = tpu.memref_squeeze %dma_start3A_860 : memref<1x128x128xf32, #tpu.memory_space<vmem>> -> memref<128x128xf32, #tpu.memory_space<vmem>>
          %dma_start3A_862 = tpu.memref_slice %arg4[%mul3A_855, %mul3A_857] : memref<81920x1024xf32, #tpu.memory_space<hbm>> -> memref<128x128xf32, #tpu.memory_space<hbm>>
          %dma_start3A_863 = tpu.memref_slice %run_scoped3A_11[%rem3A_853] : memref<2x!tpu.dma_semaphore, #tpu.memory_space<semaphore_mem>> -> memref<1x!tpu.dma_semaphore, #tpu.memory_space<semaphore_mem>>
          %dma_start3A_864 = tpu.memref_squeeze %dma_start3A_863 : memref<1x!tpu.dma_semaphore, #tpu.memory_space<semaphore_mem>> -> memref<!tpu.dma_semaphore, #tpu.memory_space<semaphore_mem>>
          %dma_start3A_865 = tpu.memref_slice %arg4[%mul3A_855, %mul3A_857] : memref<81920x1024xf32, #tpu.memory_space<hbm>> -> memref<128x128xf32, #tpu.memory_space<hbm>>
          %dma_start3A_866 = arith.constant 0 : i32
          %dma_start3A_867 = arith.constant 0 : i32
          %dma_start3A_868 = tpu.memref_slice %run_scoped3A_10[%rem3A_853, %dma_start3A_866, %dma_start3A_867] : memref<2x128x128xf32, #tpu.memory_space<vmem>> -> memref<1x128x128xf32, #tpu.memory_space<vmem>>
          %dma_start3A_869 = tpu.memref_squeeze %dma_start3A_868 : memref<1x128x128xf32, #tpu.memory_space<vmem>> -> memref<128x128xf32, #tpu.memory_space<vmem>>
          tpu.enqueue_dma source(%dma_start3A_869 : memref<128x128xf32, #tpu.memory_space<vmem>>) target(%dma_start3A_865 : memref<128x128xf32, #tpu.memory_space<hbm>>) target_semaphore(%dma_start3A_864 : memref<!tpu.dma_semaphore, #tpu.memory_space<semaphore_mem>>)
          "tpu.trace_stop"() : () -> ()
        } else {
        }
        %and3A_668 = arith.constant true
        %and3A_669 = arith.andi %or3A_664, %and3A_668 : i1
        %add3A_670 = arith.constant 1 : i32
        %add3A_671 = arith.addi %scan3A_239, %add3A_670 : i32
        %select_n3A_672 = arith.select %and3A_669, %add3A_671, %scan3A_239 : i32
        %mul3A_673 = arith.constant 128 : i32
        %mul3A_674 = arith.muli %add3A_247, %mul3A_673 : i32
        %jit3A_675 = arith.constant 16384 : i32
        %div3A_676 = arith.divsi %mul3A_674, %jit3A_675 : i32
        %sign3A_677 = arith.constant 0 : i32
        %sign3A_678 = arith.cmpi sgt, %mul3A_674, %sign3A_677 : i32
        %sign3A_679 = arith.extui %sign3A_678 : i1 to i32
        %sign3A_680 = arith.constant 0 : i32
        %sign3A_681 = arith.cmpi slt, %mul3A_674, %sign3A_680 : i32
        %sign3A_682 = arith.extui %sign3A_681 : i1 to i32
        %sign3A_683 = arith.subi %sign3A_679, %sign3A_682 : i32
        %sign3A_684 = arith.constant 0 : i32
        %sign3A_685 = arith.cmpi sgt, %jit3A_675, %sign3A_684 : i32
        %sign3A_686 = arith.extui %sign3A_685 : i1 to i32
        %sign3A_687 = arith.constant 0 : i32
        %sign3A_688 = arith.cmpi slt, %jit3A_675, %sign3A_687 : i32
        %sign3A_689 = arith.extui %sign3A_688 : i1 to i32
        %sign3A_690 = arith.subi %sign3A_686, %sign3A_689 : i32
        %ne3A_691 = arith.cmpi ne, %sign3A_683, %sign3A_690 : i32
        %rem3A_692 = arith.remsi %mul3A_674, %jit3A_675 : i32
        %ne3A_693 = arith.constant 0 : i32
        %ne3A_694 = arith.cmpi ne, %rem3A_692, %ne3A_693 : i32
        %and3A_695 = arith.andi %ne3A_691, %ne3A_694 : i1
        %sub3A_696 = arith.constant 1 : i32
        %sub3A_697 = arith.subi %div3A_676, %sub3A_696 : i32
        %select_n3A_698 = arith.select %and3A_695, %sub3A_697, %div3A_676 : i32
        %mul3A_699 = arith.constant 128 : i32
        %mul3A_700 = arith.muli %add3A_265, %mul3A_699 : i32
        %jit3A_701 = arith.constant 16384 : i32
        %div3A_702 = arith.divsi %mul3A_700, %jit3A_701 : i32
        %sign3A_703 = arith.constant 0 : i32
        %sign3A_704 = arith.cmpi sgt, %mul3A_700, %sign3A_703 : i32
        %sign3A_705 = arith.extui %sign3A_704 : i1 to i32
        %sign3A_706 = arith.constant 0 : i32
        %sign3A_707 = arith.cmpi slt, %mul3A_700, %sign3A_706 : i32
        %sign3A_708 = arith.extui %sign3A_707 : i1 to i32
        %sign3A_709 = arith.subi %sign3A_705, %sign3A_708 : i32
        %sign3A_710 = arith.constant 0 : i32
        %sign3A_711 = arith.cmpi sgt, %jit3A_701, %sign3A_710 : i32
        %sign3A_712 = arith.extui %sign3A_711 : i1 to i32
        %sign3A_713 = arith.constant 0 : i32
        %sign3A_714 = arith.cmpi slt, %jit3A_701, %sign3A_713 : i32
        %sign3A_715 = arith.extui %sign3A_714 : i1 to i32
        %sign3A_716 = arith.subi %sign3A_712, %sign3A_715 : i32
        %ne3A_717 = arith.cmpi ne, %sign3A_709, %sign3A_716 : i32
        %rem3A_718 = arith.remsi %mul3A_700, %jit3A_701 : i32
        %ne3A_719 = arith.constant 0 : i32
        %ne3A_720 = arith.cmpi ne, %rem3A_718, %ne3A_719 : i32
        %and3A_721 = arith.andi %ne3A_717, %ne3A_720 : i1
        %sub3A_722 = arith.constant 1 : i32
        %sub3A_723 = arith.subi %div3A_702, %sub3A_722 : i32
        %select_n3A_724 = arith.select %and3A_721, %sub3A_723, %div3A_702 : i32
        %ne3A_725 = arith.cmpi ne, %select_n3A_698, %select_n3A_724 : i32
        %ne3A_726 = arith.cmpi ne, %add3A_249, %add3A_267 : i32
        %or3A_727 = arith.constant false
        %or3A_728 = arith.ori %or3A_727, %ne3A_725 : i1
        %or3A_729 = arith.ori %or3A_728, %ne3A_726 : i1
        %not3A_730 = arith.constant true
        %not3A_731 = arith.xori %eq3A_244, %not3A_730 : i1
        %and3A_732 = arith.andi %or3A_729, %not3A_731 : i1
        %convert_element_type3A_733 = arith.extui %and3A_732 : i1 to i32
        %cond3A_734 = arith.constant 0 : i32
        %cond3A_735 = arith.cmpi ne, %convert_element_type3A_733, %cond3A_734 : i32
        scf.if %cond3A_735 {
        } else {
        }
        %and3A_736 = arith.constant false
        %and3A_737 = arith.andi %and3A_732, %and3A_736 : i1
        %ne3A_738 = arith.cmpi ne, %add3A_247, %add3A_265 : i32
        %ne3A_739 = arith.cmpi ne, %add3A_249, %add3A_267 : i32
        %or3A_740 = arith.constant false
        %or3A_741 = arith.ori %or3A_740, %ne3A_738 : i1
        %or3A_742 = arith.ori %or3A_741, %ne3A_739 : i1
        %not3A_743 = arith.constant true
        %not3A_744 = arith.xori %eq3A_244, %not3A_743 : i1
        %and3A_745 = arith.andi %or3A_742, %not3A_744 : i1
        %convert_element_type3A_746 = arith.extui %and3A_745 : i1 to i32
        %cond3A_747 = arith.constant 0 : i32
        %cond3A_748 = arith.cmpi ne, %convert_element_type3A_746, %cond3A_747 : i32
        scf.if %cond3A_748 {
        } else {
        }
        %and3A_749 = arith.constant false
        %and3A_750 = arith.andi %and3A_745, %and3A_749 : i1
        %ne3A_751 = arith.cmpi ne, %add3A_247, %add3A_265 : i32
        %ne3A_752 = arith.cmpi ne, %add3A_249, %add3A_267 : i32
        %or3A_753 = arith.constant false
        %or3A_754 = arith.ori %or3A_753, %ne3A_751 : i1
        %or3A_755 = arith.ori %or3A_754, %ne3A_752 : i1
        %not3A_756 = arith.constant true
        %not3A_757 = arith.xori %eq3A_244, %not3A_756 : i1
        %and3A_758 = arith.andi %or3A_755, %not3A_757 : i1
        %convert_element_type3A_759 = arith.extui %and3A_758 : i1 to i32
        %cond3A_760 = arith.constant 0 : i32
        %cond3A_761 = arith.cmpi ne, %convert_element_type3A_759, %cond3A_760 : i32
        scf.if %cond3A_761 {
          "tpu.trace_start"() <{level = 10 : i32, message = "ep_wait_out"}> : () -> ()
          %rem3A_852 = arith.constant 2 : i32
          %rem3A_853 = arith.remui %scan3A_240, %rem3A_852 : i32
          %mul3A_854 = arith.constant 128 : i32
          %mul3A_855 = arith.muli %mul3A_854, %add3A_265 : i32
          %mul3A_856 = arith.constant 128 : i32
          %mul3A_857 = arith.muli %mul3A_856, %add3A_267 : i32
          %dma_wait3A_858 = arith.constant 0 : i32
          %dma_wait3A_859 = arith.constant 0 : i32
          %dma_wait3A_860 = tpu.memref_slice %run_scoped3A_10[%rem3A_853, %dma_wait3A_858, %dma_wait3A_859] : memref<2x128x128xf32, #tpu.memory_space<vmem>> -> memref<1x128x128xf32, #tpu.memory_space<vmem>>
          %dma_wait3A_861 = tpu.memref_squeeze %dma_wait3A_860 : memref<1x128x128xf32, #tpu.memory_space<vmem>> -> memref<128x128xf32, #tpu.memory_space<vmem>>
          %dma_wait3A_862 = tpu.memref_slice %arg4[%mul3A_855, %mul3A_857] : memref<81920x1024xf32, #tpu.memory_space<hbm>> -> memref<128x128xf32, #tpu.memory_space<hbm>>
          %dma_wait3A_863 = tpu.memref_slice %run_scoped3A_11[%rem3A_853] : memref<2x!tpu.dma_semaphore, #tpu.memory_space<semaphore_mem>> -> memref<1x!tpu.dma_semaphore, #tpu.memory_space<semaphore_mem>>
          %dma_wait3A_864 = tpu.memref_squeeze %dma_wait3A_863 : memref<1x!tpu.dma_semaphore, #tpu.memory_space<semaphore_mem>> -> memref<!tpu.dma_semaphore, #tpu.memory_space<semaphore_mem>>
          %dma_wait3A_865 = tpu.memref_slice %arg4[%mul3A_855, %mul3A_857] : memref<81920x1024xf32, #tpu.memory_space<hbm>> -> memref<128x128xf32, #tpu.memory_space<hbm>>
          %dma_wait3A_866 = arith.constant 0 : i32
          %dma_wait3A_867 = arith.constant 0 : i32
          %dma_wait3A_868 = tpu.memref_slice %run_scoped3A_10[%rem3A_853, %dma_wait3A_866, %dma_wait3A_867] : memref<2x128x128xf32, #tpu.memory_space<vmem>> -> memref<1x128x128xf32, #tpu.memory_space<vmem>>
          %dma_wait3A_869 = tpu.memref_squeeze %dma_wait3A_868 : memref<1x128x128xf32, #tpu.memory_space<vmem>> -> memref<128x128xf32, #tpu.memory_space<vmem>>
          tpu.wait_dma2 semaphore(%dma_wait3A_864 : memref<!tpu.dma_semaphore, #tpu.memory_space<semaphore_mem>>) src(%dma_wait3A_869 : memref<128x128xf32, #tpu.memory_space<vmem>>) dst(%dma_wait3A_865 : memref<128x128xf32, #tpu.memory_space<hbm>>)
          "tpu.trace_stop"() : () -> ()
        } else {
        }
        %and3A_762 = arith.constant true
        %and3A_763 = arith.andi %and3A_758, %and3A_762 : i1
        %add3A_764 = arith.constant 1 : i32
        %add3A_765 = arith.addi %scan3A_240, %add3A_764 : i32
        %select_n3A_766 = arith.select %and3A_763, %add3A_765, %scan3A_240 : i32
        %mul3A_767 = arith.constant 128 : i32
        %mul3A_768 = arith.muli %add3A_247, %mul3A_767 : i32
        %jit3A_769 = arith.constant 16384 : i32
        %div3A_770 = arith.divsi %mul3A_768, %jit3A_769 : i32
        %sign3A_771 = arith.constant 0 : i32
        %sign3A_772 = arith.cmpi sgt, %mul3A_768, %sign3A_771 : i32
        %sign3A_773 = arith.extui %sign3A_772 : i1 to i32
        %sign3A_774 = arith.constant 0 : i32
        %sign3A_775 = arith.cmpi slt, %mul3A_768, %sign3A_774 : i32
        %sign3A_776 = arith.extui %sign3A_775 : i1 to i32
        %sign3A_777 = arith.subi %sign3A_773, %sign3A_776 : i32
        %sign3A_778 = arith.constant 0 : i32
        %sign3A_779 = arith.cmpi sgt, %jit3A_769, %sign3A_778 : i32
        %sign3A_780 = arith.extui %sign3A_779 : i1 to i32
        %sign3A_781 = arith.constant 0 : i32
        %sign3A_782 = arith.cmpi slt, %jit3A_769, %sign3A_781 : i32
        %sign3A_783 = arith.extui %sign3A_782 : i1 to i32
        %sign3A_784 = arith.subi %sign3A_780, %sign3A_783 : i32
        %ne3A_785 = arith.cmpi ne, %sign3A_777, %sign3A_784 : i32
        %rem3A_786 = arith.remsi %mul3A_768, %jit3A_769 : i32
        %ne3A_787 = arith.constant 0 : i32
        %ne3A_788 = arith.cmpi ne, %rem3A_786, %ne3A_787 : i32
        %and3A_789 = arith.andi %ne3A_785, %ne3A_788 : i1
        %sub3A_790 = arith.constant 1 : i32
        %sub3A_791 = arith.subi %div3A_770, %sub3A_790 : i32
        %select_n3A_792 = arith.select %and3A_789, %sub3A_791, %div3A_770 : i32
        %mul3A_793 = arith.constant 128 : i32
        %mul3A_794 = arith.muli %add3A_283, %mul3A_793 : i32
        %jit3A_795 = arith.constant 16384 : i32
        %div3A_796 = arith.divsi %mul3A_794, %jit3A_795 : i32
        %sign3A_797 = arith.constant 0 : i32
        %sign3A_798 = arith.cmpi sgt, %mul3A_794, %sign3A_797 : i32
        %sign3A_799 = arith.extui %sign3A_798 : i1 to i32
        %sign3A_800 = arith.constant 0 : i32
        %sign3A_801 = arith.cmpi slt, %mul3A_794, %sign3A_800 : i32
        %sign3A_802 = arith.extui %sign3A_801 : i1 to i32
        %sign3A_803 = arith.subi %sign3A_799, %sign3A_802 : i32
        %sign3A_804 = arith.constant 0 : i32
        %sign3A_805 = arith.cmpi sgt, %jit3A_795, %sign3A_804 : i32
        %sign3A_806 = arith.extui %sign3A_805 : i1 to i32
        %sign3A_807 = arith.constant 0 : i32
        %sign3A_808 = arith.cmpi slt, %jit3A_795, %sign3A_807 : i32
        %sign3A_809 = arith.extui %sign3A_808 : i1 to i32
        %sign3A_810 = arith.subi %sign3A_806, %sign3A_809 : i32
        %ne3A_811 = arith.cmpi ne, %sign3A_803, %sign3A_810 : i32
        %rem3A_812 = arith.remsi %mul3A_794, %jit3A_795 : i32
        %ne3A_813 = arith.constant 0 : i32
        %ne3A_814 = arith.cmpi ne, %rem3A_812, %ne3A_813 : i32
        %and3A_815 = arith.andi %ne3A_811, %ne3A_814 : i1
        %sub3A_816 = arith.constant 1 : i32
        %sub3A_817 = arith.subi %div3A_796, %sub3A_816 : i32
        %select_n3A_818 = arith.select %and3A_815, %sub3A_817, %div3A_796 : i32
        %ne3A_819 = arith.cmpi ne, %select_n3A_792, %select_n3A_818 : i32
        %ne3A_820 = arith.cmpi ne, %add3A_249, %add3A_285 : i32
        %or3A_821 = arith.constant false
        %or3A_822 = arith.ori %or3A_821, %ne3A_819 : i1
        %or3A_823 = arith.ori %or3A_822, %ne3A_820 : i1
        %or3A_824 = arith.ori %or3A_823, %eq3A_246 : i1
        %add3A_825 = arith.constant 1 : i32
        %add3A_826 = arith.addi %scan3A_236, %add3A_825 : i32
        %select_n3A_827 = arith.select %or3A_824, %add3A_826, %scan3A_236 : i32
        %ne3A_828 = arith.cmpi ne, %add3A_247, %add3A_283 : i32
        %ne3A_829 = arith.cmpi ne, %add3A_249, %add3A_285 : i32
        %or3A_830 = arith.constant false
        %or3A_831 = arith.ori %or3A_830, %ne3A_828 : i1
        %or3A_832 = arith.ori %or3A_831, %ne3A_829 : i1
        %or3A_833 = arith.ori %or3A_832, %eq3A_246 : i1
        %add3A_834 = arith.constant 1 : i32
        %add3A_835 = arith.addi %scan3A_238, %add3A_834 : i32
        %select_n3A_836 = arith.select %or3A_833, %add3A_835, %scan3A_238 : i32
        %add3A_837 = arith.constant 1 : i32
        %add3A_838 = arith.addi %scan3A_242, %add3A_837 : i32
        %select_n3A_839 = arith.constant true
        %select_n3A_840 = arith.select %select_n3A_839, %add3A_838, %scan3A_242 : i32
        %eq3A_841 = arith.constant 8 : i32
        %eq3A_842 = arith.cmpi eq, %select_n3A_840, %eq3A_841 : i32
        %select_n3A_843 = arith.constant 0 : i32
        %select_n3A_844 = arith.select %eq3A_842, %select_n3A_843, %select_n3A_840 : i32
        %add3A_845 = arith.constant 1 : i32
        %add3A_846 = arith.addi %scan3A_241, %add3A_845 : i32
        %select_n3A_847 = arith.select %eq3A_842, %add3A_846, %scan3A_241 : i32
        %eq3A_848 = arith.constant 20 : i32
        %eq3A_849 = arith.cmpi eq, %select_n3A_847, %eq3A_848 : i32
        %select_n3A_850 = arith.constant 0 : i32
        %select_n3A_851 = arith.select %eq3A_849, %select_n3A_850, %select_n3A_847 : i32
        scf.yield %select_n3A_368, %select_n3A_827, %select_n3A_386, %select_n3A_836, %select_n3A_672, %select_n3A_766, %select_n3A_851, %select_n3A_844 : i32, i32, i32, i32, i32, i32, i32, i32
      }
      %scan3A_144 = arith.constant 160 : i32
      %sub3A_145 = arith.constant 1 : i32
      %sub3A_146 = arith.subi %scan3A_143#7, %sub3A_145 : i32
      %select_n3A_147 = arith.constant true
      %select_n3A_148 = arith.select %select_n3A_147, %sub3A_146, %scan3A_143#7 : i32
      %eq3A_149 = arith.constant -1 : i32
      %eq3A_150 = arith.cmpi eq, %select_n3A_148, %eq3A_149 : i32
      %select_n3A_151 = arith.constant 7 : i32
      %select_n3A_152 = arith.select %eq3A_150, %select_n3A_151, %select_n3A_148 : i32
      %sub3A_153 = arith.constant 1 : i32
      %sub3A_154 = arith.subi %scan3A_143#6, %sub3A_153 : i32
      %select_n3A_155 = arith.select %eq3A_150, %sub3A_154, %scan3A_143#6 : i32
      %eq3A_156 = arith.constant -1 : i32
      %eq3A_157 = arith.cmpi eq, %select_n3A_155, %eq3A_156 : i32
      %select_n3A_158 = arith.constant 19 : i32
      %select_n3A_159 = arith.select %eq3A_157, %select_n3A_158, %select_n3A_155 : i32
      %add3A_160 = arith.addi %select_n3A_159, %mul3A_6 : i32
      %add3A_161 = arith.constant 0 : i32
      %add3A_162 = arith.addi %select_n3A_152, %add3A_161 : i32
      %sub3A_163 = arith.constant 1 : i32
      %sub3A_164 = arith.subi %select_n3A_152, %sub3A_163 : i32
      %select_n3A_165 = arith.constant true
      %select_n3A_166 = arith.select %select_n3A_165, %sub3A_164, %select_n3A_152 : i32
      %eq3A_167 = arith.constant -1 : i32
      %eq3A_168 = arith.cmpi eq, %select_n3A_166, %eq3A_167 : i32
      %select_n3A_169 = arith.constant 7 : i32
      %select_n3A_170 = arith.select %eq3A_168, %select_n3A_169, %select_n3A_166 : i32
      %sub3A_171 = arith.constant 1 : i32
      %sub3A_172 = arith.subi %select_n3A_159, %sub3A_171 : i32
      %select_n3A_173 = arith.select %eq3A_168, %sub3A_172, %select_n3A_159 : i32
      %eq3A_174 = arith.constant -1 : i32
      %eq3A_175 = arith.cmpi eq, %select_n3A_173, %eq3A_174 : i32
      %select_n3A_176 = arith.constant 19 : i32
      %select_n3A_177 = arith.select %eq3A_175, %select_n3A_176, %select_n3A_173 : i32
      %add3A_178 = arith.addi %select_n3A_177, %mul3A_6 : i32
      %add3A_179 = arith.constant 0 : i32
      %add3A_180 = arith.addi %select_n3A_170, %add3A_179 : i32
      %add3A_181 = arith.constant 1 : i32
      %add3A_182 = arith.addi %select_n3A_152, %add3A_181 : i32
      %select_n3A_183 = arith.constant true
      %select_n3A_184 = arith.select %select_n3A_183, %add3A_182, %select_n3A_152 : i32
      %eq3A_185 = arith.constant 8 : i32
      %eq3A_186 = arith.cmpi eq, %select_n3A_184, %eq3A_185 : i32
      %select_n3A_187 = arith.constant 0 : i32
      %select_n3A_188 = arith.select %eq3A_186, %select_n3A_187, %select_n3A_184 : i32
      %add3A_189 = arith.constant 1 : i32
      %add3A_190 = arith.addi %select_n3A_159, %add3A_189 : i32
      %select_n3A_191 = arith.select %eq3A_186, %add3A_190, %select_n3A_159 : i32
      %eq3A_192 = arith.constant 20 : i32
      %eq3A_193 = arith.cmpi eq, %select_n3A_191, %eq3A_192 : i32
      %select_n3A_194 = arith.constant 0 : i32
      %select_n3A_195 = arith.select %eq3A_193, %select_n3A_194, %select_n3A_191 : i32
      %add3A_196 = arith.addi %select_n3A_195, %mul3A_6 : i32
      %add3A_197 = arith.constant 0 : i32
      %add3A_198 = arith.addi %select_n3A_188, %add3A_197 : i32
      %add3A_199 = arith.constant 1 : i32
      %add3A_200 = arith.addi %select_n3A_188, %add3A_199 : i32
      %select_n3A_201 = arith.constant true
      %select_n3A_202 = arith.select %select_n3A_201, %add3A_200, %select_n3A_188 : i32
      %eq3A_203 = arith.constant 8 : i32
      %eq3A_204 = arith.cmpi eq, %select_n3A_202, %eq3A_203 : i32
      %select_n3A_205 = arith.constant 0 : i32
      %select_n3A_206 = arith.select %eq3A_204, %select_n3A_205, %select_n3A_202 : i32
      %add3A_207 = arith.constant 1 : i32
      %add3A_208 = arith.addi %select_n3A_195, %add3A_207 : i32
      %select_n3A_209 = arith.select %eq3A_204, %add3A_208, %select_n3A_195 : i32
      %eq3A_210 = arith.constant 20 : i32
      %eq3A_211 = arith.cmpi eq, %select_n3A_209, %eq3A_210 : i32
      %select_n3A_212 = arith.constant 0 : i32
      %select_n3A_213 = arith.select %eq3A_211, %select_n3A_212, %select_n3A_209 : i32
      %add3A_214 = arith.addi %select_n3A_213, %mul3A_6 : i32
      %add3A_215 = arith.constant 0 : i32
      %add3A_216 = arith.addi %select_n3A_206, %add3A_215 : i32
      "tpu.trace_start"() <{level = 10 : i32, message = "ep_finalize"}> : () -> ()
      %rem3A_217 = arith.constant 2 : i32
      %rem3A_218 = arith.remui %scan3A_143#5, %rem3A_217 : i32
      %mul3A_219 = arith.constant 128 : i32
      %mul3A_220 = arith.muli %mul3A_219, %add3A_160 : i32
      %mul3A_221 = arith.constant 128 : i32
      %mul3A_222 = arith.muli %mul3A_221, %add3A_162 : i32
      %dma_wait3A = arith.constant 0 : i32
      %dma_wait3A_223 = arith.constant 0 : i32
      %dma_wait3A_224 = tpu.memref_slice %run_scoped3A_10[%rem3A_218, %dma_wait3A, %dma_wait3A_223] : memref<2x128x128xf32, #tpu.memory_space<vmem>> -> memref<1x128x128xf32, #tpu.memory_space<vmem>>
      %dma_wait3A_225 = tpu.memref_squeeze %dma_wait3A_224 : memref<1x128x128xf32, #tpu.memory_space<vmem>> -> memref<128x128xf32, #tpu.memory_space<vmem>>
      %dma_wait3A_226 = tpu.memref_slice %arg4[%mul3A_220, %mul3A_222] : memref<81920x1024xf32, #tpu.memory_space<hbm>> -> memref<128x128xf32, #tpu.memory_space<hbm>>
      %dma_wait3A_227 = tpu.memref_slice %run_scoped3A_11[%rem3A_218] : memref<2x!tpu.dma_semaphore, #tpu.memory_space<semaphore_mem>> -> memref<1x!tpu.dma_semaphore, #tpu.memory_space<semaphore_mem>>
      %dma_wait3A_228 = tpu.memref_squeeze %dma_wait3A_227 : memref<1x!tpu.dma_semaphore, #tpu.memory_space<semaphore_mem>> -> memref<!tpu.dma_semaphore, #tpu.memory_space<semaphore_mem>>
      %dma_wait3A_229 = tpu.memref_slice %arg4[%mul3A_220, %mul3A_222] : memref<81920x1024xf32, #tpu.memory_space<hbm>> -> memref<128x128xf32, #tpu.memory_space<hbm>>
      %dma_wait3A_230 = arith.constant 0 : i32
      %dma_wait3A_231 = arith.constant 0 : i32
      %dma_wait3A_232 = tpu.memref_slice %run_scoped3A_10[%rem3A_218, %dma_wait3A_230, %dma_wait3A_231] : memref<2x128x128xf32, #tpu.memory_space<vmem>> -> memref<1x128x128xf32, #tpu.memory_space<vmem>>
      %dma_wait3A_233 = tpu.memref_squeeze %dma_wait3A_232 : memref<1x128x128xf32, #tpu.memory_space<vmem>> -> memref<128x128xf32, #tpu.memory_space<vmem>>
      tpu.wait_dma2 semaphore(%dma_wait3A_228 : memref<!tpu.dma_semaphore, #tpu.memory_space<semaphore_mem>>) src(%dma_wait3A_233 : memref<128x128xf32, #tpu.memory_space<vmem>>) dst(%dma_wait3A_229 : memref<128x128xf32, #tpu.memory_space<hbm>>)
      "tpu.trace_stop"() : () -> ()
      tpu.yield
    }) : () -> ()
    return
  }
}

</mosaic_0001>

<sc_bundles>
// kernel: kernel.3.cloned.1.call-start
scs
__scs_entry_jumppad:
0x0: {  	(pc) =	sbr.rel $0x88, $3  }
0x1: {  	(tag) =	ssettag $0x0;
	lr =	simm.s32 $0x1  }
0x2: {  	[smem:$0x3F9F] =	sst lr;
	_ =	strace $0xD0000000  }
0x3: {  	_ = 	snop  }
0x4: {  	_ = 	snop  }
0x5: {  	_ = 	snop  }
0x6: {  	_ = 	snop  }
0x7: {  	_ = 	snop  }
__scs_overlays_trampoline_lowered:
0x8: {  	[smem:$0x3FAE] =	sst s0  }
0x9: {  	[smem:$0x3FAF] =	sst s1  }
0xa: {  	[smem:$0x3FB0] =	sst s2  }
0xb: {  	[smem:$0x3FB1] =	sst s3  }
0xc: {  	[smem:$0x3FB2] =	sst s4  }
0xd: {  	[smem:$0x3FB3] =	sst s5  }
0xe: {  	[smem:$0x3FB4] =	sst s6  }
0xf: {  	[smem:$0x3FB5] =	sst s7  }
0x10: {  	[smem:$0x3FB6] =	sst s8  }
0x11: {  	[smem:$0x3FB7] =	sst s9;
	s0 =	simm.s32 @!p0 $0x0  }
0x12: {  	s1 =	sld [smem:$0x3F9D];
	s0 =	simm.s32 @p0 $0x1  }
0x13: {  	[smem:$0x3FB8] =	sst s0;
	s0 =	simm.s32 @!p1 $0x0  }
0x14: {  	s2 =	sld [smem:$0x3F9C];
	s0 =	simm.s32 @p1 $0x1  }
0x15: {  	[smem:$0x3FB9] =	sst s0;
	s0 =	simm.s32 @!p2 $0x0  }
0x16: {  	s3 =	sld [smem:$0x3FDB];
	s0 =	simm.s32 @p2 $0x1  }
0x17: {  	s4 =	simm.s32 $0x1BF5;
	[smem:$0x3FBB] =	sst s0  }
0x18: {  	s0 =	sld [smem:$0x3F9E];
	_ =	swait.ge [sflag:s4], $0x0  }
0x19: {  	s7 =	sld [smem:$0x3F9F]  }
0x1a: {  	s8 =	sadd.s32 $0xFFFFE003, lr  }
0x1b: {  	s9 =	sadd.s32 $0xFFFFFEF7, lr;
	s5 =	simm.s32 $0xFFFFFFFF;
	p2 =	slt.u32 s8, $0xFFFFF086  }
0x1c: {  	p1 =	slt.u32 s9, $0xF7A;
	s5 =	simm.s32 @!p2 $0x0  }
0x1d: {  	s5 =	simm.s32 @p1 $0x1;
	p0 =	seq.s32 s7, s2  }
0x1e: {  	s7 =	smul.u32 @!p0 $0xF7A, s2;
	p2 =	seq.s32 @!p0 s5, $0x0  }
0x1f: {  	s9 =	smul.u32 $0xF7A, s1;
	s8 =	simm.s32 @!p0 $0x1BF5;
	p2 =	por !p2, p0  }
0x20: {  	[sflag:s8] =	ssyncset.s32 @!p0 $0xFFFFF086;
	s6 =	sadd.s32 @!p0 s3, s7;
	s7 =	simm.s32 @!p0 $0x108  }
0x21: {  	s3 =	sadd.s32 s3, s9;
	s6 =	sadd.s32 @!p0 $0x88, s6;
	s7 =	simm.s32 @p2 $0x1082  }
0x22: {  	[simem:s7], [sflag:s8] =	dma.local @!p0 [hbm:s6], $0xF7A  }
0x23: {  	s9 =	sor.u32 $0xD0000000, s2;
	s6 =	simm.s32 $0x108;
	_ =	swait.ge @!p0 [sflag:s8], $0x0  }
0x24: {  	s3 =	sadd.s32 $0x88, s3;
	s6 =	simm.s32 @!p1 $0x1082;
	[sflag:s4] =	ssyncset.s32 $0xFFFFF086  }
0x25: {  	[simem:s6], [sflag:s4] =	dma.local [hbm:s3], $0xF7A  }
0x26: {  	[smem:$0x3F9F] =	sst s1;
	(tag) =	ssettag s2;
	_ =	strace s9  }
0x27: {  	s1 =	sld [smem:$0x3FAF]  }
0x28: {  	s2 =	sld [smem:$0x3FB0]  }
0x29: {  	s4 =	sld [smem:$0x3FB2]  }
0x2a: {  	p0 =	seq.s32 s5, $0x0;
	s5 =	sld [smem:$0x3FB3]  }
0x2b: {  	s6 =	sld [smem:$0x3FB4]  }
0x2c: {  	s7 =	sld [smem:$0x3FB5]  }
0x2d: {  	s3 =	simm.s32 $0x108;
	s8 =	sld [smem:$0x3FB6]  }
0x2e: {  	s3 =	simm.s32 @!p0 $0x1082;
	s9 =	sld [smem:$0x3FB7]  }
0x2f: {  	lr =	sadd.s32 s0, s3;
	s0 =	sld [smem:$0x3FAE]  }
0x30: {  	s3 =	sld [smem:$0x3FB1]  }
0x31: {  	[smem:$0x3FBA] =	sst s10  }
0x32: {  	s10 =	sld [smem:$0x3FB8];
	_ =	sdelay $0x3  }
0x33: {  	p0 =	seq.s32 s10, $0x1;
	s10 =	sld [smem:$0x3FBA];
	_ =	sdelay $0x3  }
0x34: {  	[smem:$0x3FBA] =	sst s10  }
0x35: {  	s10 =	sld [smem:$0x3FB9];
	_ =	sdelay $0x3  }
0x36: {  	p1 =	seq.s32 s10, $0x1;
	s10 =	sld [smem:$0x3FBA];
	_ =	sdelay $0x3  }
0x37: {  	[smem:$0x3FBA] =	sst s10  }
0x38: {  	s10 =	sld [smem:$0x3FBB]  }
0x39: {  	_ = 	snop;
	(pc) =	sbr.ind lr, $3  }
0x3a: {  	_ = 	snop  }
0x3b: {  	_ = 	snop  }
0x3c: {  	p2 =	seq.s32 s10, $0x1;
	s10 =	sld [smem:$0x3FBA]  }
0x3d: {  	_ =	shalt  }
0x3e: {  	_ =	shalt  }
0x3f: {  	_ =	shalt  }
0x40: {  	_ =	shalt  }
0x41: {  	_ =	shalt  }
0x42: {  	_ =	shalt  }
0x43: {  	_ =	shalt  }
0x44: {  	_ =	shalt  }
0x45: {  	_ =	shalt  }
0x46: {  	_ =	shalt  }
0x47: {  	_ =	shalt  }
0x48: {  	_ =	shalt  }
0x49: {  	_ =	shalt  }
0x4a: {  	_ =	shalt  }
0x4b: {  	_ =	shalt  }
0x4c: {  	_ =	shalt  }
0x4d: {  	_ =	shalt  }
0x4e: {  	_ =	shalt  }
0x4f: {  	_ =	shalt  }
0x50: {  	_ =	shalt  }
0x51: {  	_ =	shalt  }
0x52: {  	_ =	shalt  }
0x53: {  	_ =	shalt  }
0x54: {  	_ =	shalt  }
0x55: {  	_ =	shalt  }
0x56: {  	_ =	shalt  }
0x57: {  	_ =	shalt  }
0x58: {  	_ =	shalt  }
0x59: {  	_ =	shalt  }
0x5a: {  	_ =	shalt  }
0x5b: {  	_ =	shalt  }
0x5c: {  	_ =	shalt  }
0x5d: {  	_ =	shalt  }
0x5e: {  	_ =	shalt  }
0x5f: {  	_ =	shalt  }
0x60: {  	_ =	shalt  }
0x61: {  	_ =	shalt  }
0x62: {  	_ =	shalt  }
0x63: {  	_ =	shalt  }
0x64: {  	_ =	shalt  }
0x65: {  	_ =	shalt  }
0x66: {  	_ =	shalt  }
0x67: {  	_ =	shalt  }
0x68: {  	_ =	shalt  }
0x69: {  	_ =	shalt  }
0x6a: {  	_ =	shalt  }
0x6b: {  	_ =	shalt  }
0x6c: {  	_ =	shalt  }
0x6d: {  	_ =	shalt  }
0x6e: {  	_ =	shalt  }
0x6f: {  	_ =	shalt  }
0x70: {  	_ =	shalt  }
0x71: {  	_ =	shalt  }
0x72: {  	_ =	shalt  }
0x73: {  	_ =	shalt  }
0x74: {  	_ =	shalt  }
0x75: {  	_ =	shalt  }
0x76: {  	_ =	shalt  }
0x77: {  	_ =	shalt  }
0x78: {  	_ =	shalt  }
0x79: {  	_ =	shalt  }
0x7a: {  	_ =	shalt  }
0x7b: {  	_ =	shalt  }
0x7c: {  	_ =	shalt  }
0x7d: {  	_ =	shalt  }
0x7e: {  	_ =	shalt  }
0x7f: {  	_ =	shalt  }
0x80: {  	_ =	shalt  }
0x81: {  	_ =	shalt  }
0x82: {  	_ =	shalt  }
0x83: {  	_ =	shalt  }
0x84: {  	_ =	shalt  }
0x85: {  	_ =	shalt  }
0x86: {  	_ =	shalt  }
0x87: {  	_ =	shalt  }
.Lfunc_end0:
.L_simem_size_0:
called_computation_lowered:
.L_overlay_start_0:
0x88: {  	s2 =	sld [smem:$0x3FD9]  }
0x89: {  	s3 =	sld [smem:$0x3FFE];
	_ =	sdelay $0x1  }
0x8a: {  	s1 =	srdreg.scid  }
0x8b: {  	s0 =	sand.u32 $0x1, s1  }
0x8c: {  	s18 =	sshll.u32 s0, $0xA;
	s2 =	sadd.s32 s3, s2  }
0x8d: {  	s2 =	sadd.s32 s2, s18  }
0x8e: {  	[smem:$0x3FC6] =	sst s2  }
0x8f: {  	_ = 	snop  }
0x90: {  	s2 =	sld [smem:$0x3FC9]  }
0x91: {  	s19 =	sld [smem:$0x3FC8]  }
0x92: {  	s4 =	sld [smem:$0x3FD0];
	(tm) =	ssettm $0x1  }
0x93: {  	s5 =	sld [smem:$0x3FFB];
	_ =	sdelay $0x3  }
0x94: {  	_ =	strace s5  }
0x95: {  	s5 =	sld [smem:$0x3FFC];
	_ =	sdelay $0x3  }
0x96: {  	_ =	strace s5  }
0x97: {  	s5 =	sld [smem:$0x3FFD];
	_ =	sdelay $0x3  }
0x98: {  	_ =	strace s5  }
0x99: {  	_ =	strace $0x8FFFFFFF  }
0x9a: {  	s20 =	sld [smem:$0x3FDB];
	_ =	sdelay $0x1  }
0x9b: {  	s6 =	simm.s32 $_scs_section_size  }
0x9c: {  	s7 =	simm.s32 $_size__tile_overlayer_lowered;
	s8 =	simm.s32 $_tile_overlayer_lowered  }
0x9d: {  	s23 =	simm.s32 $0x1BFF;
	s22 =	sshll.u32 s8, $0x1;
	s5 =	sadd.s32 s6, s20  }
0x9e: {  	s9 =	simm.s32 $0x0;
	s21 =	sshll.u32 s7, $0x1;
	s7 =	sadd.s32 s22, s5  }
0x9f: {  	[timem:s9], [sflag:s23] =	dma.local [hbm:s7], s21  }
0xa0: {  	_ =	swait.ge [sflag:s23], s21  }
0xa1: {  	s6 =	ssub.s32 $0x0, s21;
	[sflag:s23] =	ssyncset.done $0x0  }
0xa2: {  	[sflag:s23] =	ssyncadd.s32 s6;
	_ =	sdelay $0x1  }
0xa3: {  	s24 =	simm.s32 $0x1B8B  }
0xa4: {  	_ =	swait.ge [sflag:s24], $0x1  }
0xa5: {  	[sflag:s24] =	ssyncset.done $0x0  }
0xa6: {  	s25 =	simm.s32 $0x1B8E;
	[sflag:s24] =	ssyncadd.s32 $0xFFFFFFFF  }
0xa7: {  	s26 =	simm.s32 $execute0_lowered;
	[smem:$0x3FD2] =	sst s25  }
0xa8: {  	s6 =	sshll.u32 s26, $0x1;
	_ =	strace $0x80000046;
	[dreg:$0x1] =	wrdreg $0xFFFFFFFF  }
0xa9: {  	s28 =	simm.s32 $_size_execute0_lowered;
	s5 =	sadd.s32 s5, s6;
	[dreg:$0x0] =	wrdreg $0x0  }
0xaa: {  	s6 =	sshll.u32 s28, $0x1;
	[dreg:$0x2] =	wrdreg s5  }
0xab: {  	[dreg:$0x3] =	wrdreg s6  }
0xac: {  	[dreg:$0x4] =	wrdreg $0xC0  }
0xad: {  	_ =	task [dreg:s9], $0x5FFFF  }
0xae: {  	[dreg:$0x1] =	wrdreg $0xFFFFFFFF  }
0xaf: {  	[dreg:$0x0] =	wrdreg $0x60  }
0xb0: {  	[dreg:$0x2] =	wrdreg s19  }
0xb1: {  	[dreg:$0x3] =	wrdreg s2  }
0xb2: {  	[dreg:$0x4] =	wrdreg s4  }
0xb3: {  	[dreg:$0x5] =	wrdreg $0x9  }
0xb4: {  	_ =	task.clear_ibuf [dreg:s9], $0x6FFFF;
	_ =	strace $0x90000046  }
0xb5: {  	s29 =	simm.s32 $0x9;
	_ =	strace $0x80000051  }
0xb6: {  	_ =	swait.ge [sflag:s29], $0x1  }
0xb7: {  	[sflag:s29] =	ssyncadd.s32 $0xFFFFFFFF  }
0xb8: {  	_ =	strace $0x90000051  }
0xb9: {  	_ =	sfence  }
0xba: {  	s30 =	sld [smem:$0x0];
	_ =	sdelay $0x2  }
0xbb: {  	s31 =	sshll.u32 s1, $0xD;
	s1 =	sshrl.u32 s1, $0x2  }
0xbc: {  	s3 =	sand.u32 $0x4000, s31;
	s1 =	sadd.s32 s1, s30  }
0xbd: {  	s0 =	sor.u32 s3, s0;
	s1 =	sshll.u32 s1, $0x11  }
0xbe: {  	s0 =	sor.u32 s1, s0  }
0xbf: {  	s0 =	sadd.s32 $0x8F2B, s0  }
0xc0: {  	[sflag:s0] =	ssyncadd.remote.s32 $0x1  }
0xc1: {  	_ =	sfence.sel $0xFFFF  }
0xc2: {  	[dreg:$0x0] =	wrdreg $0xFFFFFFFF;
	(pc) =	sbr.abs _section_cstart, $3  }
0xc3: {  	[dreg:$0x1] =	wrdreg $0xFFFFFFFF  }
0xc4: {  	_ =	task.clear_ibuf [dreg:s9], $0x2FFFF;
	_ =	strace $0x9FFFFFFF  }
0xc5: {  	(tm) =	ssettm $0x7FFFFFFF  }
tec
execute0_lowered:
.L_overlay_start_1:
0x0: {  	(tag) =	ssettag $0x1  }
0x1: {  	s1 =	rddreg [dreg:$0x0]  }
0x2: {  	s0 =	srdreg.scid;
	s3 =	rddreg [dreg:$0x1]  }
0x3: {  	s4 =	rddreg [dreg:$0x2];
	s2 =	sand.u32 $0x1, s0  }
0x4: {  	s10 =	simm.s32 $0x400;
	s0 =	stileid.u32;
	s5 =	sshll.u32 s2, $0x4  }
0x5: {  	s11 =	simm.s32 $0x2000;
	s12 =	simm.s32 $0x100;
	s6 =	sor.u32 s0, s5  }
0x6: {  	s2 =	ssub.s32 $0x2, s2;
	s5 =	simm.s32 $0x0;
	s7 =	smul.u32 $0xA00, s6  }
0x7: {  	s13 =	simm.s32 $0x0;
	s8 =	sshrl.u32 s2, $0x1;
	[smem:$0x7FF] =	sst s5  }
0x8: {  	s9 =	smul.u32 $0x50000, s6;
	s2 =	ssub.s32 s2, s8;
	s7 =	sshrl.u32 s7, $0xA  }
0x9: {  	s6 =	smul.u32 $0x14, s6;
	_ =	strace $0x80000047;
	s7 =	sand.u32 $0x70, s7  }
0xa: {  	s8 =	sadd.s32 s3, s9;
	s9 =	smax.u32 s2, $0x1;
	s7 =	sadd.s32 s1, s7  }
.LBB2_1:
0xb: {  	_ =	strace $0x80000048;
	s23 =	simm.s32 $0x0  }
0xc: {  	s18 =	simm.s32 $0x0;
	s14 =	simm.s32 $0x0;
	s15 =	simm.s32 $0x0  }
0xd: {  	[tilespmem:s5], [sflag:$0x1] =	stream.linear.gather [hbm4b:s7+s5], $0x80, $0x200038;
	[tilespmem:$0x10100] =	vst v63  }
0xe: {  	s16 =	simm.s32 $0x0;
	s17 =	simm.s32 $0x1;
	s19 =	simm.s32 $0x0  }
0xf: {  	[tilespmem:s12], [sflag:$0x3] =	stream.strided.gather [hbm4b:s8+s10], $0x4000, s11, s10, $0x200038;
	[tilespmem:$0x10100] =	vst v63  }
0x10: {  	s20 =	simm.s32 $0x1;
	s21 =	simm.s32 $0x0;
	_ =	strace $0x90000048  }
.LBB2_2:
0x11: {  	s22 =	sadd.s32 $0x1, s23;
	s2 =	smov.u32 s18  }
0x12: {  	s18 =	simm.s32 $0x1;
	p0 =	seq.s32 s22, $0x8;
	s24 =	sadd.s32 s6, s2  }
0x13: {  	s18 =	simm.s32 @!p0 $0x0;
	s25 =	sshll.u32 s24, $0x7  }
0x14: {  	s28 =	sand.u32 $0x7F, s24;
	s18 =	sadd.s32 s18, s2;
	s26 =	sshra.s32 s25, $0x1F  }
0x15: {  	p4 =	slt.s32 s25, $0x1;
	p1 =	seq.s32 s18, $0x14;
	s26 =	sshrl.u32 s26, $0x12  }
0x16: {  	p2 =	sne.s32 s28, $0x0;
	s18 =	simm.s32 @p1 $0x0;
	s26 =	sadd.s32 s26, s25  }
0x17: {  	p1 =	por !p4, !p2;
	s25 =	sadd.s32 s6, s18;
	s26 =	sshra.s32 s26, $0xE  }
0x18: {  	p1 =	por !p1, !p1;
	s28 =	sshll.u32 s25, $0x7;
	s29 =	sand.u32 $0x7F, s25  }
0x19: {  	s30 =	sshra.s32 s28, $0x1F;
	p5 =	slt.s32 s28, $0x1;
	p3 =	sne.s32 s29, $0x0  }
0x1a: {  	s29 =	simm.s32 $0x1;
	s30 =	sshrl.u32 s30, $0x12;
	p2 =	por !p5, !p3  }
0x1b: {  	s28 =	sadd.s32 s30, s28;
	p2 =	por !p2, !p2;
	s30 =	simm.s32 $0x1  }
0x1c: {  	s29 =	simm.s32 @!p1 $0x0;
	s28 =	sshra.s32 s28, $0xE;
	s30 =	simm.s32 @!p2 $0x0  }
0x1d: {  	s22 =	simm.s32 @p0 $0x0;
	s26 =	ssub.s32 s26, s29;
	s28 =	ssub.s32 s28, s30  }
0x1e: {  	p1 =	sne.s32 s23, s22;
	p6 =	sne.s32 s26, s28  }
0x1f: {  	p5 =	sne.s32 s21, $0x9F;
	p0 =	por p1, p6  }
0x20: {  	p6 =	por !p5, !p0  }
0x21: {  	p3 =	por !p6, !p6  }
0x22: {  	p4 =	sne.s32 s2, s18;
	s26 =	sand.u32 @p3 $0x3FFFF8, s28  }
0x23: {  	p2 =	por p1, p4;
	s28 =	sshll.u32 @p3 s28, $0x7;
	s26 =	sadd.s32 @p3 s22, s26  }
0x24: {  	p1 =	por !p5, !p2;
	s28 =	sand.u32 @p3 $0x380, s28;
	s26 =	sshll.u32 @p3 s26, $0xA  }
0x25: {  	p1 =	por !p1, !p1;
	_ =	strace @p3 $0x80000049;
	s2 =	sor.u32 @p3 s28, s26  }
0x26: {  	s29 =	simm.s32 @p3 $0x0;
	s26 =	sand.u32 @p3 $0x1, s20;
	s2 =	sshrl.u32 @p3 s2, $0x3  }
0x27: {  	s28 =	sshll.u32 @p3 s26, $0x7;
	s26 =	sadd.s32 @p3 $0x1, s26;
	s2 =	sadd.s32 @p3 s1, s2  }
0x28: {  	[tilespmem:s28], [sflag:s26] =	stream.linear.gather @p3 [hbm4b:s2+s29], $0x80, $0x200038;
	[tilespmem:$0x10100] =	vst v63  }
0x29: {  	s2 =	sshll.u32 @p1 s25, $0x11  }
0x2a: {  	s25 =	sshll.u32 @p1 s22, $0xA;
	s26 =	sand.u32 @p1 $0x1, s17;
	s28 =	simm.s32 @p1 $0x400  }
0x2b: {  	s29 =	simm.s32 @p1 $0x2000;
	_ =	strace @p3 $0x90000049;
	s2 =	sadd.s32 @p1 s25, s2  }
0x2c: {  	s25 =	sshll.u32 @p1 s26, $0xE;
	s26 =	sadd.s32 @p1 $0x3, s26;
	s2 =	sshrl.u32 @p1 s2, $0x3  }
0x2d: {  	_ =	strace @p1 $0x8000004A;
	s25 =	sor.u32 @p1 $0x100, s25;
	s2 =	sadd.s32 @p1 s3, s2  }
0x2e: {  	[tilespmem:s25], [sflag:s26] =	stream.strided.gather @p1 [hbm4b:s2+s28], $0x4000, s29, s28, $0x200038;
	[tilespmem:$0x10100] =	vst v63  }
0x2f: {  	s25 =	sand.u32 $0x1, s19;
	_ =	strace @p1 $0x9000004A  }
0x30: {  	s2 =	sadd.s32 $0x1, s25;
	_ =	strace $0x8000004B  }
0x31: {  	_ =	swait.ge [sflag:s2], $0x80  }
0x32: {  	[sflag:s2] =	ssyncset.done $0x0  }
0x33: {  	[sflag:s2] =	ssyncadd.s32 $0xFFFFFF80;
	s2 =	sand.u32 $0x1, s16  }
0x34: {  	_ =	strace $0x9000004B;
	s26 =	sadd.s32 $0x3, s2;
	s2 =	sshll.u32 s2, $0x10  }
0x35: {  	_ =	strace $0x8000004C;
	s29 =	sshrl.u32 s2, $0x2  }
0x36: {  	_ =	swait.ge [sflag:s26], $0x4000;
	s2 =	sor.u32 $0x100, s29  }
0x37: {  	s31 =	simm.s32 $0x1;
	s25 =	sand.u32 $0x1, s15;
	[sflag:s26] =	ssyncset.done $0x0;
	v2 =	vmov s2  }
0x38: {  	s31 =	simm.s32 @!p3 $0x0;
	[sflag:s26] =	ssyncadd.s32 $0xFFFFC000;
	s26 =	sshll.u32 s25, $0x10  }
0x39: {  	s28 =	sshll.u32 s19, $0x7;
	_ =	strace $0x9000004C;
	s30 =	sshrl.u32 s26, $0x2  }
0x3a: {  	s28 =	sand.u32 $0x80, s28;
	_ =	strace $0x8000004D;
	s26 =	sor.u32 $0x8100, s30  }
0x3b: {  	s20 =	sadd.s32 s31, s20;
	s31 =	simm.s32 $0x0;
	s2 =	simm.s32 $0x200;
	v0 =	vld [tilespmem:s28+$0x0];
	v1 =	vmov s26  }
.LBB2_3:
0x3c: {  	p3 =	sne.s32 s2, $0xFE00;
	v3 =	vld.idx.msk [tilespmem:v2+s31+$0x0 ss:$0x1], $0xffff;
	_ =	sdelay $0x3  }
.Ltmp0:
0x3d: {  	(pc) =	sbr.rel @p3 .LBB2_3-.Ltmp0, $3  }
0x3e: {  	_ = 	snop  }
0x3f: {  	v3 =	vadd.f32 v3, v0;
	_ =	sdelay $0x1  }
0x40: {  	[tilespmem:v1+s31+$0x0 ss:$0x1] =	vst.idx.msk $0xffff, v3;
	s31 =	sshra.s32 s2, $0x2;
	s2 =	sadd.s32 $0x200, s2  }
0x41: {  	_ =	sdelay $0x3  }
0x42: {  	v2 =	vld.idx.msk [tilespmem:v2+s31+$0x0 ss:$0x1], $0xffff;
	_ =	sdelay $0x3  }
0x43: {  	s2 =	sadd.s32 $0x110, s29  }
0x44: {  	v0 =	vadd.f32 v2, v0;
	v2 =	vmov s2;
	_ =	sdelay $0x2  }
0x45: {  	[tilespmem:v1+s31+$0x0 ss:$0x1] =	vst.idx.msk $0xffff, v0;
	s31 =	sadd.s32 $0x8110, s30  }
0x46: {  	s2 =	simm.s32 $0x200;
	v0 =	vld [tilespmem:s28+$0x10];
	v1 =	vmov s31;
	s31 =	simm.s32 $0x0  }
.LBB2_5:
0x47: {  	p3 =	sne.s32 s2, $0xFE00;
	v3 =	vld.idx.msk [tilespmem:v2+s31+$0x0 ss:$0x1], $0xffff;
	_ =	sdelay $0x3  }
.Ltmp1:
0x48: {  	(pc) =	sbr.rel @p3 .LBB2_5-.Ltmp1, $3  }
0x49: {  	_ = 	snop  }
0x4a: {  	v3 =	vadd.f32 v3, v0;
	_ =	sdelay $0x1  }
0x4b: {  	[tilespmem:v1+s31+$0x0 ss:$0x1] =	vst.idx.msk $0xffff, v3;
	s31 =	sshra.s32 s2, $0x2;
	s2 =	sadd.s32 $0x200, s2  }
0x4c: {  	_ =	sdelay $0x3  }
0x4d: {  	v2 =	vld.idx.msk [tilespmem:v2+s31+$0x0 ss:$0x1], $0xffff;
	_ =	sdelay $0x3  }
0x4e: {  	s2 =	sadd.s32 $0x120, s29  }
0x4f: {  	v0 =	vadd.f32 v2, v0;
	v2 =	vmov s2;
	_ =	sdelay $0x2  }
0x50: {  	[tilespmem:v1+s31+$0x0 ss:$0x1] =	vst.idx.msk $0xffff, v0;
	s31 =	sadd.s32 $0x8120, s30  }
0x51: {  	s2 =	simm.s32 $0x200;
	v0 =	vld [tilespmem:s28+$0x20];
	v1 =	vmov s31;
	s31 =	simm.s32 $0x0  }
.LBB2_7:
0x52: {  	p3 =	sne.s32 s2, $0xFE00;
	v3 =	vld.idx.msk [tilespmem:v2+s31+$0x0 ss:$0x1], $0xffff;
	_ =	sdelay $0x3  }
.Ltmp2:
0x53: {  	(pc) =	sbr.rel @p3 .LBB2_7-.Ltmp2, $3  }
0x54: {  	_ = 	snop  }
0x55: {  	v3 =	vadd.f32 v3, v0;
	_ =	sdelay $0x1  }
0x56: {  	[tilespmem:v1+s31+$0x0 ss:$0x1] =	vst.idx.msk $0xffff, v3;
	s31 =	sshra.s32 s2, $0x2;
	s2 =	sadd.s32 $0x200, s2  }
0x57: {  	_ =	sdelay $0x3  }
0x58: {  	v2 =	vld.idx.msk [tilespmem:v2+s31+$0x0 ss:$0x1], $0xffff;
	_ =	sdelay $0x3  }
0x59: {  	s2 =	sadd.s32 $0x130, s29  }
0x5a: {  	v0 =	vadd.f32 v2, v0;
	v2 =	vmov s2;
	_ =	sdelay $0x2  }
0x5b: {  	[tilespmem:v1+s31+$0x0 ss:$0x1] =	vst.idx.msk $0xffff, v0;
	s31 =	sadd.s32 $0x8130, s30  }
0x5c: {  	s2 =	simm.s32 $0x200;
	v0 =	vld [tilespmem:s28+$0x30];
	v1 =	vmov s31;
	s31 =	simm.s32 $0x0  }
.LBB2_9:
0x5d: {  	p3 =	sne.s32 s2, $0xFE00;
	v3 =	vld.idx.msk [tilespmem:v2+s31+$0x0 ss:$0x1], $0xffff;
	_ =	sdelay $0x3  }
.Ltmp3:
0x5e: {  	(pc) =	sbr.rel @p3 .LBB2_9-.Ltmp3, $3  }
0x5f: {  	_ = 	snop  }
0x60: {  	v3 =	vadd.f32 v3, v0;
	_ =	sdelay $0x1  }
0x61: {  	[tilespmem:v1+s31+$0x0 ss:$0x1] =	vst.idx.msk $0xffff, v3;
	s31 =	sshra.s32 s2, $0x2;
	s2 =	sadd.s32 $0x200, s2  }
0x62: {  	_ =	sdelay $0x3  }
0x63: {  	v2 =	vld.idx.msk [tilespmem:v2+s31+$0x0 ss:$0x1], $0xffff;
	_ =	sdelay $0x3  }
0x64: {  	s2 =	sadd.s32 $0x140, s29  }
0x65: {  	v0 =	vadd.f32 v2, v0;
	v2 =	vmov s2;
	_ =	sdelay $0x2  }
0x66: {  	[tilespmem:v1+s31+$0x0 ss:$0x1] =	vst.idx.msk $0xffff, v0;
	s31 =	sadd.s32 $0x8140, s30  }
0x67: {  	s2 =	simm.s32 $0x200;
	v0 =	vld [tilespmem:s28+$0x40];
	v1 =	vmov s31;
	s31 =	simm.s32 $0x0  }
.LBB2_11:
0x68: {  	p3 =	sne.s32 s2, $0xFE00;
	v3 =	vld.idx.msk [tilespmem:v2+s31+$0x0 ss:$0x1], $0xffff;
	_ =	sdelay $0x3  }
.Ltmp4:
0x69: {  	(pc) =	sbr.rel @p3 .LBB2_11-.Ltmp4, $3  }
0x6a: {  	_ = 	snop  }
0x6b: {  	v3 =	vadd.f32 v3, v0;
	_ =	sdelay $0x1  }
0x6c: {  	[tilespmem:v1+s31+$0x0 ss:$0x1] =	vst.idx.msk $0xffff, v3;
	s31 =	sshra.s32 s2, $0x2;
	s2 =	sadd.s32 $0x200, s2  }
0x6d: {  	_ =	sdelay $0x3  }
0x6e: {  	v2 =	vld.idx.msk [tilespmem:v2+s31+$0x0 ss:$0x1], $0xffff;
	_ =	sdelay $0x3  }
0x6f: {  	s2 =	sadd.s32 $0x150, s29  }
0x70: {  	v0 =	vadd.f32 v2, v0;
	v2 =	vmov s2;
	_ =	sdelay $0x2  }
0x71: {  	[tilespmem:v1+s31+$0x0 ss:$0x1] =	vst.idx.msk $0xffff, v0;
	s31 =	sadd.s32 $0x8150, s30  }
0x72: {  	s2 =	simm.s32 $0x200;
	v0 =	vld [tilespmem:s28+$0x50];
	v1 =	vmov s31;
	s31 =	simm.s32 $0x0  }
.LBB2_13:
0x73: {  	p3 =	sne.s32 s2, $0xFE00;
	v3 =	vld.idx.msk [tilespmem:v2+s31+$0x0 ss:$0x1], $0xffff;
	_ =	sdelay $0x3  }
.Ltmp5:
0x74: {  	(pc) =	sbr.rel @p3 .LBB2_13-.Ltmp5, $3  }
0x75: {  	_ = 	snop  }
0x76: {  	v3 =	vadd.f32 v3, v0;
	_ =	sdelay $0x1  }
0x77: {  	[tilespmem:v1+s31+$0x0 ss:$0x1] =	vst.idx.msk $0xffff, v3;
	s31 =	sshra.s32 s2, $0x2;
	s2 =	sadd.s32 $0x200, s2  }
0x78: {  	_ =	sdelay $0x3  }
0x79: {  	v2 =	vld.idx.msk [tilespmem:v2+s31+$0x0 ss:$0x1], $0xffff;
	_ =	sdelay $0x3  }
0x7a: {  	s2 =	sadd.s32 $0x160, s29  }
0x7b: {  	v0 =	vadd.f32 v2, v0;
	v2 =	vmov s2;
	_ =	sdelay $0x2  }
0x7c: {  	[tilespmem:v1+s31+$0x0 ss:$0x1] =	vst.idx.msk $0xffff, v0;
	s31 =	sadd.s32 $0x8160, s30  }
0x7d: {  	s2 =	simm.s32 $0x200;
	v0 =	vld [tilespmem:s28+$0x60];
	v1 =	vmov s31;
	s31 =	simm.s32 $0x0  }
.LBB2_15:
0x7e: {  	p3 =	sne.s32 s2, $0xFE00;
	v3 =	vld.idx.msk [tilespmem:v2+s31+$0x0 ss:$0x1], $0xffff;
	_ =	sdelay $0x3  }
.Ltmp6:
0x7f: {  	(pc) =	sbr.rel @p3 .LBB2_15-.Ltmp6, $3  }
0x80: {  	_ = 	snop  }
0x81: {  	v3 =	vadd.f32 v3, v0;
	_ =	sdelay $0x1  }
0x82: {  	[tilespmem:v1+s31+$0x0 ss:$0x1] =	vst.idx.msk $0xffff, v3;
	s31 =	sshra.s32 s2, $0x2;
	s2 =	sadd.s32 $0x200, s2  }
0x83: {  	_ =	sdelay $0x3  }
0x84: {  	v2 =	vld.idx.msk [tilespmem:v2+s31+$0x0 ss:$0x1], $0xffff;
	_ =	sdelay $0x3  }
0x85: {  	s2 =	sadd.s32 $0x170, s29  }
0x86: {  	v0 =	vadd.f32 v2, v0;
	v2 =	vmov s2;
	_ =	sdelay $0x2  }
0x87: {  	[tilespmem:v1+s31+$0x0 ss:$0x1] =	vst.idx.msk $0xffff, v0;
	s31 =	sadd.s32 $0x8170, s30  }
0x88: {  	s2 =	simm.s32 $0x200;
	v1 =	vld [tilespmem:s28+$0x70];
	v0 =	vmov s31;
	s28 =	simm.s32 $0x0  }
.LBB2_17:
0x89: {  	p3 =	sne.s32 s2, $0xFE00;
	v3 =	vld.idx.msk [tilespmem:v2+s28+$0x0 ss:$0x1], $0xffff;
	_ =	sdelay $0x3  }
.Ltmp7:
0x8a: {  	(pc) =	sbr.rel @p3 .LBB2_17-.Ltmp7, $3  }
0x8b: {  	_ = 	snop  }
0x8c: {  	v3 =	vadd.f32 v3, v1;
	_ =	sdelay $0x1  }
0x8d: {  	[tilespmem:v0+s28+$0x0 ss:$0x1] =	vst.idx.msk $0xffff, v3;
	s28 =	sshra.s32 s2, $0x2;
	s2 =	sadd.s32 $0x200, s2  }
0x8e: {  	_ =	sdelay $0x3  }
0x8f: {  	v2 =	vld.idx.msk [tilespmem:v2+s28+$0x0 ss:$0x1], $0xffff;
	_ =	sdelay $0x3  }
0x90: {  	p3 =	seq.s32 s21, $0x9F  }
0x91: {  	p2 =	por p3, p2;
	v1 =	vadd.f32 v2, v1  }
0x92: {  	p4 =	seq.s32 s21, $0x0;
	s2 =	sshll.u32 @p2 s24, $0x11;
	s23 =	sshll.u32 @p2 s23, $0xA  }
0x93: {  	p0 =	por p3, p0;
	s24 =	simm.s32 @p2 $0x400;
	s2 =	sadd.s32 @p2 s23, s2;
	[tilespmem:v0+s28+$0x0 ss:$0x1] =	vst.idx.msk $0xffff, v1  }
0x94: {  	s23 =	sadd.s32 @p2 $0x5, s25;
	s2 =	sshrl.u32 @p2 s2, $0x3;
	_ =	strace $0x9000004D  }
0x95: {  	s25 =	simm.s32 @p2 $0x2000;
	s2 =	sadd.s32 @p2 s4, s2;
	_ =	strace @p2 $0x8000004E  }
0x96: {  	[hbm4b:s2+s24] =	stream.strided.scatter @p2 [tilespmem:s26], [sflag:s23], $0x4000, s25, s24, $0x200038;
	[tilespmem:$0x10100] =	vst v63  }
0x97: {  	s2 =	sand.u32 @!p4 $0x1, s14;
	s23 =	simm.s32 $0x1;
	_ =	strace @p2 $0x9000004E  }
0x98: {  	s2 =	sadd.s32 @!p4 $0x5, s2;
	s23 =	simm.s32 @!p1 $0x0;
	p1 =	sne.s32 s21, $0x0  }
0x99: {  	s21 =	sadd.s32 $0x1, s21;
	s17 =	sadd.s32 s23, s17;
	s23 =	simm.s32 $0x1  }
0x9a: {  	_ =	strace @!p4 $0x8000004F;
	s23 =	simm.s32 @!p0 $0x0;
	p0 =	sne.s32 s21, $0xA0  }
.Ltmp8:
0x9b: {  	s24 =	simm.s32 $0x1;
	_ =	swait.ge @!p4 [sflag:s2], $0x4000;
	(pc) =	sbr.rel @p0 .LBB2_2-.Ltmp8, $4  }
0x9c: {  	s24 =	simm.s32 @!p2 $0x0;
	[sflag:s2] =	ssyncset.done @!p4 $0x0  }
0x9d: {  	s15 =	sadd.s32 s24, s15;
	[sflag:s2] =	ssyncadd.s32 @!p4 $0xFFFFC000;
	s2 =	simm.s32 $0x1  }
0x9e: {  	s16 =	sadd.s32 s24, s16;
	s19 =	sadd.s32 s23, s19;
	s2 =	simm.s32 @!p1 $0x0  }
0x9f: {  	s23 =	smov.u32 s22;
	_ =	strace @!p4 $0x9000004F;
	s14 =	sadd.s32 s2, s14  }
0xa0: {  	s13 =	sadd.s32 $0x1, s13  }
0xa1: {  	s2 =	sand.u32 $0x1, s14;
	p0 =	sne.s32 s13, s9  }
.Ltmp9:
0xa2: {  	_ =	strace $0x80000050;
	s2 =	sadd.s32 $0x5, s2;
	(pc) =	sbr.rel @p0 .LBB2_1-.Ltmp9, $4  }
0xa3: {  	_ =	swait.ge [sflag:s2], $0x4000  }
0xa4: {  	[sflag:s2] =	ssyncset.done $0x0  }
0xa5: {  	[sflag:s2] =	ssyncadd.s32 $0xFFFFC000  }
0xa6: {  	_ =	strace $0x90000050  }
0xa7: {  	_ =	sfence.sel $0x180000  }
0xa8: {  	[bflag:$0x0] =	sbarrier.arrive $0xFFFF  }
0xa9: {  	_ =	strace $0x90000047  }
0xaa: {  	[bflag:$0x2] =	sbarrier.arrive $0xFFFF  }
0xab: {  	p0 =	sne.s32 s0, $0x0;
	s0 =	rddreg [dreg:$0x3]  }
0xac: {  	s0 =	sadd.s32 @!p0 $0x100000, s0  }
0xad: {  	[sflag:s0] =	ssyncadd.tile.s32 @!p0 $0x1;
	_ =	shalt  }
.Lfunc_end2:
_tile_overlayer_lowered:
.L_overlay_start_2:
0xae: {  	(tag) =	ssettag $0x2  }
0xaf: {  	s0 =	rddreg [dreg:$0x0];
	s2 =	stileid.u32  }
0xb0: {  	s1 =	rddreg [dreg:$0x1];
	p0 =	sne.s32 s2, $0x0  }
0xb1: {  	s3 =	rddreg [dreg:$0x2];
	[bflag:$0x3] =	sbarrier.arrive $0xFFFF;
	s2 =	simm.s32 @!p0 $0x1C01  }
0xb2: {  	[timem:s3], [sflag:s2] =	dma.local @!p0 [hbm:s0], s1  }
0xb3: {  	s0 =	simm.s32 @!p0 $0x1  }
0xb4: {  	_ =	swait.ge @!p0 [sflag:s0], s1  }
0xb5: {  	s1 =	ssub.s32 @!p0 $0x0, s1;
	[sflag:s0] =	ssyncset.done @!p0 $0x0  }
0xb6: {  	[sflag:s0] =	ssyncadd.s32 @!p0 s1  }
0xb7: {  	[bflag:$0x3] =	sbarrier.arrive $0xFFFF  }
0xb8: {  	_ =	shalt  }

</sc_bundles>
